<compile_context>
chip_gen: v7x
topology: tpu7x:2x2x1
jax: 0.10.2.dev20260603
libtpu: 0.0.44.dev20260713+nightly
codegen_flags: <defaults>
</compile_context>

<pallas_src>
import functools

import jax
import jax.numpy as jnp
from jax import lax
from jax.experimental import pallas as pl
from jax.experimental.pallas import tpu as pltpu
from jax.experimental.pallas import tpu_sc as plsc

NUM_CLASSES = 19
ROW = 32
NBINS = 1024
L = 16
LANE_STRIDE = 1031
HSZ = L * LANE_STRIDE

NC = 2
NS = 16
NW = NC * NS

N_PIX = 16 * 512 * 512
PER_W = N_PIX // NW
CH_ROWS = 32
CH = CH_ROWS * 512
NCHUNK = PER_W // CH
NBUF = 2
VEC_PER_CH = CH // L
VEC_PER_ROW = 512 // L
UNROLL = 8
NSTREAM = 1

_mesh = plsc.VectorSubcoreMesh(core_axis_name="c", subcore_axis_name="s")


@functools.partial(
    pl.kernel,
    out_type=jax.ShapeDtypeStruct((NW, 8, 128), jnp.float32),
    mesh=_mesh,
    scratch_types=(
        [pltpu.VMEM((CH_ROWS, 512), jnp.int32) for _ in range(2 * NBUF)]
        + [
            pltpu.VMEM((NSTREAM * HSZ,), jnp.int32),
            pltpu.VMEM((8, 128), jnp.float32),
        ]
        + [pltpu.SemaphoreType.DMA for _ in range(NBUF)]
    ),
    compiler_params=pltpu.CompilerParams(
        needs_layout_passes=False, use_tc_tiling_on_sc=True),
)
def _sc_hist(pred_hbm, label_hbm, out_hbm, *refs):
    bufs = [(refs[2 * b], refs[2 * b + 1], refs[2 * NBUF + 2 + b])
            for b in range(NBUF)]
    hist = refs[2 * NBUF]
    fhist = refs[2 * NBUF + 1]

    wid = lax.axis_index("s") * NC + lax.axis_index("c")
    img = wid // 2
    row0 = (wid % 2) * 256

    def _start(c):
        pb, lb, sm = bufs[c % NBUF]
        rows = pl.ds(row0 + c * CH_ROWS, CH_ROWS)
        cp = pltpu.async_copy(pred_hbm.at[img, rows, :], pb, sm)
        cl = pltpu.async_copy(label_hbm.at[img, rows, :], lb, sm)
        return cp, cl

    pending = [None] * NBUF
    for c in range(NBUF):
        pending[c] = _start(c)

    @plsc.parallel_loop(0, NSTREAM * HSZ // L, unroll=8)
    def _zero(i):
        hist[pl.ds(i * L, L)] = jnp.zeros((L,), jnp.int32)

    lane_base = lax.iota(jnp.int32, L) * LANE_STRIDE
    ones = jnp.ones((L,), jnp.int32)

    for c in range(NCHUNK):
        cp, cl = pending[c % NBUF]
        cp.wait()
        cl.wait()
        pb, lb, _ = bufs[c % NBUF]

        @plsc.parallel_loop(0, VEC_PER_CH, unroll=UNROLL)
        def _accum(i):
            r = i // VEC_PER_ROW
            coff = (i % VEC_PER_ROW) * L
            pv = pb[r, pl.ds(coff, L)]
            lv = lb[r, pl.ds(coff, L)]
            idx = lane_base + lv * ROW + pv
            plsc.addupdate_scatter(hist, [idx], ones)

        if c + NBUF < NCHUNK:
            pending[c % NBUF] = _start(c + NBUF)

    @plsc.parallel_loop(0, NBINS // L, unroll=2)
    def _reduce(b):
        acc = jnp.zeros((L,), jnp.int32)
        for s in range(NSTREAM):
            for lane in range(L):
                acc = acc + hist[
                    pl.ds(s * HSZ + lane * LANE_STRIDE + b * L, L)]
        fhist[b // 8, pl.ds((b % 8) * L, L)] = acc.astype(jnp.float32)

    pltpu.sync_copy(fhist, out_hbm.at[wid])


def _fold(part_ref, cm_ref, out_ref):
    s = jnp.sum(part_ref[...], axis=0)
    rows = [s[l // 4:l // 4 + 1, (l % 4) * ROW:(l % 4) * ROW + NUM_CLASSES]
            for l in range(NUM_CLASSES)]
    out_ref[...] = jnp.concatenate(rows, axis=0) + cm_ref[...]


def kernel(imgPredict, imgLabel, confusionMatrix):
    partial = _sc_hist(imgPredict, imgLabel)
    return pl.pallas_call(
        _fold,
        out_shape=jax.ShapeDtypeStruct((NUM_CLASSES, NUM_CLASSES),
                                       jnp.float32),
    )(partial, confusionMatrix)

# --- scband reference (transcript-rebuilt; emitter-appended) ---
"""Pipeline reference for scband-segmentation-metric-463856468579 (READ-ONLY COPY).

The authoritative reference and input builder live on the scoring server;
editing this copy changes nothing except your own understanding.
"""

import jax, jax.numpy as jnp
import numpy as np

NUM_CLASS = 19

def setup_inputs(seed: int = 0) -> dict:
    key = jax.random.key(seed)
    k1, k2 = jax.random.split(key)
    imgPredict = jax.random.randint(k1, (16, 512, 512), 0, NUM_CLASS, dtype=jnp.int64 if jax.config.jax_enable_x64 else jnp.int32).astype(jnp.int32)
    imgLabel = jax.random.randint(k2, (16, 512, 512), 0, NUM_CLASS, dtype=jnp.int32)
    confusionMatrix = jnp.zeros((NUM_CLASS, NUM_CLASS), dtype=jnp.float32)
    return {"imgPredict": imgPredict, "imgLabel": imgLabel, "confusionMatrix": confusionMatrix}

def reference(imgPredict, imgLabel, confusionMatrix):
    # genConfusionMatrix: label = numClass * imgLabel + imgPredict, then bincount over C^2 bins
    label = NUM_CLASS * imgLabel.reshape(-1) + imgPredict.reshape(-1)
    count = jnp.bincount(label, minlength=NUM_CLASS ** 2, length=NUM_CLASS ** 2)
    cm = count.reshape(NUM_CLASS, NUM_CLASS).astype(jnp.float32)
    # addBatch: accumulate into running confusion matrix
    new_cm = confusionMatrix + cm
    return new_cm

if __name__ == "__main__":
    import jax
    _d = setup_inputs()
    print(jax.jit(kernel)(*tuple(_d.values())))

</pallas_src>

<mosaic_0001>
#map = affine_map<(d0, d1) -> (0, 0, 0)>
module attributes {stable_mosaic.version = 14 : i64} {
  func.func @_sc_hist(%arg0: i32, %arg1: i32, %arg2: memref<16x512x512xi32, #tpu.memory_space<hbm>>, %arg3: memref<16x512x512xi32, #tpu.memory_space<hbm>>, %arg4: memref<32x8x128xf32, #tpu.memory_space<hbm>>, %arg5: memref<32x512xi32, #tpu.memory_space<vmem>>, %arg6: memref<32x512xi32, #tpu.memory_space<vmem>>, %arg7: memref<32x512xi32, #tpu.memory_space<vmem>>, %arg8: memref<32x512xi32, #tpu.memory_space<vmem>>, %arg9: memref<16496xi32, #tpu.memory_space<vmem>>, %arg10: memref<8x128xf32, #tpu.memory_space<vmem>>, %arg11: memref<!tpu.dma_semaphore, #tpu.memory_space<semaphore_mem>>, %arg12: memref<!tpu.dma_semaphore, #tpu.memory_space<semaphore_mem>>) attributes {dimension_semantics = [#tpu.dimension_semantics<core_parallel>, #tpu.dimension_semantics<subcore_parallel>], iteration_bounds = array<i64: 2, 16>, scalar_prefetch = 0 : i64, scratch_operands = 8 : i64, tpu.core_type = #tpu.core_type<sc_vector_subcore>, window_params = [{transform_indices = #map}, {transform_indices = #map}, {transform_indices = #map}]} {
    %mul3A = arith.constant 2 : i32
    %mul3A_0 = arith.muli %arg1, %mul3A : i32
    %add3A = arith.addi %mul3A_0, %arg0 : i32
    %jit3A = arith.constant 2 : i32
    %div3A = arith.divsi %add3A, %jit3A : i32
    %sign3A = arith.constant 0 : i32
    %sign3A_1 = arith.cmpi sgt, %add3A, %sign3A : i32
    %sign3A_2 = arith.extui %sign3A_1 : i1 to i32
    %sign3A_3 = arith.constant 0 : i32
    %sign3A_4 = arith.cmpi slt, %add3A, %sign3A_3 : i32
    %sign3A_5 = arith.extui %sign3A_4 : i1 to i32
    %sign3A_6 = arith.subi %sign3A_2, %sign3A_5 : i32
    %sign3A_7 = arith.constant 0 : i32
    %sign3A_8 = arith.cmpi sgt, %jit3A, %sign3A_7 : i32
    %sign3A_9 = arith.extui %sign3A_8 : i1 to i32
    %sign3A_10 = arith.constant 0 : i32
    %sign3A_11 = arith.cmpi slt, %jit3A, %sign3A_10 : i32
    %sign3A_12 = arith.extui %sign3A_11 : i1 to i32
    %sign3A_13 = arith.subi %sign3A_9, %sign3A_12 : i32
    %ne3A = arith.cmpi ne, %sign3A_6, %sign3A_13 : i32
    %rem3A = arith.remsi %add3A, %jit3A : i32
    %ne3A_14 = arith.constant 0 : i32
    %ne3A_15 = arith.cmpi ne, %rem3A, %ne3A_14 : i32
    %and3A = arith.andi %ne3A, %ne3A_15 : i1
    %sub3A = arith.constant 1 : i32
    %sub3A_16 = arith.subi %div3A, %sub3A : i32
    %select_n3A = arith.select %and3A, %sub3A_16, %div3A : i32
    %jit3A_17 = arith.constant 2 : i32
    %eq3A = arith.constant 0 : i32
    %eq3A_18 = arith.cmpi eq, %jit3A_17, %eq3A : i32
    %jit3A_19 = arith.constant 1 : i32
    %select_n3A_20 = arith.select %eq3A_18, %jit3A_19, %jit3A_17 : i32
    %rem3A_21 = arith.remsi %add3A, %select_n3A_20 : i32
    %ne3A_22 = arith.constant 0 : i32
    %ne3A_23 = arith.cmpi ne, %rem3A_21, %ne3A_22 : i32
    %lt3A = arith.constant 0 : i32
    %lt3A_24 = arith.cmpi slt, %rem3A_21, %lt3A : i32
    %lt3A_25 = arith.constant 0 : i32
    %lt3A_26 = arith.cmpi slt, %select_n3A_20, %lt3A_25 : i32
    %ne3A_27 = arith.xori %lt3A_24, %lt3A_26 : i1
    %and3A_28 = arith.andi %ne3A_27, %ne3A_23 : i1
    %add3A_29 = arith.addi %rem3A_21, %select_n3A_20 : i32
    %select_n3A_30 = arith.select %and3A_28, %add3A_29, %rem3A_21 : i32
    %mul3A_31 = arith.constant 256 : i32
    %mul3A_32 = arith.muli %select_n3A_30, %mul3A_31 : i32
    %add3A_33 = arith.constant 0 : i32
    %add3A_34 = arith.addi %mul3A_32, %add3A_33 : i32
    %dma_start3A = arith.constant 0 : i32
    %dma_start3A_35 = tpu.memref_slice %arg2[%select_n3A, %add3A_34, %dma_start3A] : memref<16x512x512xi32, #tpu.memory_space<hbm>> -> memref<1x32x512xi32, #tpu.memory_space<hbm>>
    %dma_start3A_36 = tpu.memref_squeeze %dma_start3A_35 : memref<1x32x512xi32, #tpu.memory_space<hbm>> -> memref<32x512xi32, #tpu.memory_space<hbm>>
    %dma_start3A_37 = arith.constant 0 : i32
    %dma_start3A_38 = tpu.memref_slice %arg2[%select_n3A, %add3A_34, %dma_start3A_37] : memref<16x512x512xi32, #tpu.memory_space<hbm>> -> memref<1x32x512xi32, #tpu.memory_space<hbm>>
    %dma_start3A_39 = tpu.memref_squeeze %dma_start3A_38 : memref<1x32x512xi32, #tpu.memory_space<hbm>> -> memref<32x512xi32, #tpu.memory_space<hbm>>
    tpu.enqueue_dma source(%dma_start3A_39 : memref<32x512xi32, #tpu.memory_space<hbm>>) target(%arg5 : memref<32x512xi32, #tpu.memory_space<vmem>>) target_semaphore(%arg11 : memref<!tpu.dma_semaphore, #tpu.memory_space<semaphore_mem>>)
    %dma_start3A_40 = arith.constant 0 : i32
    %dma_start3A_41 = tpu.memref_slice %arg3[%select_n3A, %add3A_34, %dma_start3A_40] : memref<16x512x512xi32, #tpu.memory_space<hbm>> -> memref<1x32x512xi32, #tpu.memory_space<hbm>>
    %dma_start3A_42 = tpu.memref_squeeze %dma_start3A_41 : memref<1x32x512xi32, #tpu.memory_space<hbm>> -> memref<32x512xi32, #tpu.memory_space<hbm>>
    %dma_start3A_43 = arith.constant 0 : i32
    %dma_start3A_44 = tpu.memref_slice %arg3[%select_n3A, %add3A_34, %dma_start3A_43] : memref<16x512x512xi32, #tpu.memory_space<hbm>> -> memref<1x32x512xi32, #tpu.memory_space<hbm>>
    %dma_start3A_45 = tpu.memref_squeeze %dma_start3A_44 : memref<1x32x512xi32, #tpu.memory_space<hbm>> -> memref<32x512xi32, #tpu.memory_space<hbm>>
    tpu.enqueue_dma source(%dma_start3A_45 : memref<32x512xi32, #tpu.memory_space<hbm>>) target(%arg6 : memref<32x512xi32, #tpu.memory_space<vmem>>) target_semaphore(%arg11 : memref<!tpu.dma_semaphore, #tpu.memory_space<semaphore_mem>>)
    %add3A_46 = arith.constant 32 : i32
    %add3A_47 = arith.addi %mul3A_32, %add3A_46 : i32
    %dma_start3A_48 = arith.constant 0 : i32
    %dma_start3A_49 = tpu.memref_slice %arg2[%select_n3A, %add3A_47, %dma_start3A_48] : memref<16x512x512xi32, #tpu.memory_space<hbm>> -> memref<1x32x512xi32, #tpu.memory_space<hbm>>
    %dma_start3A_50 = tpu.memref_squeeze %dma_start3A_49 : memref<1x32x512xi32, #tpu.memory_space<hbm>> -> memref<32x512xi32, #tpu.memory_space<hbm>>
    %dma_start3A_51 = arith.constant 0 : i32
    %dma_start3A_52 = tpu.memref_slice %arg2[%select_n3A, %add3A_47, %dma_start3A_51] : memref<16x512x512xi32, #tpu.memory_space<hbm>> -> memref<1x32x512xi32, #tpu.memory_space<hbm>>
    %dma_start3A_53 = tpu.memref_squeeze %dma_start3A_52 : memref<1x32x512xi32, #tpu.memory_space<hbm>> -> memref<32x512xi32, #tpu.memory_space<hbm>>
    tpu.enqueue_dma source(%dma_start3A_53 : memref<32x512xi32, #tpu.memory_space<hbm>>) target(%arg7 : memref<32x512xi32, #tpu.memory_space<vmem>>) target_semaphore(%arg12 : memref<!tpu.dma_semaphore, #tpu.memory_space<semaphore_mem>>)
    %dma_start3A_54 = arith.constant 0 : i32
    %dma_start3A_55 = tpu.memref_slice %arg3[%select_n3A, %add3A_47, %dma_start3A_54] : memref<16x512x512xi32, #tpu.memory_space<hbm>> -> memref<1x32x512xi32, #tpu.memory_space<hbm>>
    %dma_start3A_56 = tpu.memref_squeeze %dma_start3A_55 : memref<1x32x512xi32, #tpu.memory_space<hbm>> -> memref<32x512xi32, #tpu.memory_space<hbm>>
    %dma_start3A_57 = arith.constant 0 : i32
    %dma_start3A_58 = tpu.memref_slice %arg3[%select_n3A, %add3A_47, %dma_start3A_57] : memref<16x512x512xi32, #tpu.memory_space<hbm>> -> memref<1x32x512xi32, #tpu.memory_space<hbm>>
    %dma_start3A_59 = tpu.memref_squeeze %dma_start3A_58 : memref<1x32x512xi32, #tpu.memory_space<hbm>> -> memref<32x512xi32, #tpu.memory_space<hbm>>
    tpu.enqueue_dma source(%dma_start3A_59 : memref<32x512xi32, #tpu.memory_space<hbm>>) target(%arg8 : memref<32x512xi32, #tpu.memory_space<vmem>>) target_semaphore(%arg12 : memref<!tpu.dma_semaphore, #tpu.memory_space<semaphore_mem>>)
    %parallel_loop3A = arith.constant 0 : i32
    %parallel_loop3A_60 = arith.constant 1031 : i32
    %parallel_loop3A_61 = arith.constant 1 : i32
    scf.for %parallel_loop3A_272 = %parallel_loop3A to %parallel_loop3A_60 step %parallel_loop3A_61  : i32 {
      %parallel_loop3A_273 = arith.constant 0 : i32
      %parallel_loop3A_274 = vector.broadcast %parallel_loop3A_273 : i32 to vector<16xi32>
      %parallel_loop3A_275 = arith.constant 16 : i32
      %parallel_loop3A_276 = arith.muli %parallel_loop3A_272, %parallel_loop3A_275 : i32
      %parallel_loop3A_277 = arith.index_cast %parallel_loop3A_276 : i32 to index
      %parallel_loop3A_278 = tpu.vector_load %arg9[%parallel_loop3A_277] {strides = array<i32>} : memref<16496xi32, #tpu.memory_space<vmem>>, vector<16xi32>,
      tpu.vector_store %arg9[%parallel_loop3A_277], %parallel_loop3A_274 {strides = array<i32>} : memref<16496xi32, #tpu.memory_space<vmem>>, vector<16xi32>,
    } {sc.loop_unroll_factor = 8 : i64, sc.parallel_access}
    %iota3A = tpu.iota {dimensions = array<i32: 0>} : vector<16xi32>
    %mul3A_62 = arith.constant 1031 : i32
    %mul3A_63 = vector.broadcast %mul3A_62 : i32 to vector<16xi32>
    %mul3A_64 = arith.muli %iota3A, %mul3A_63 : vector<16xi32>
    %broadcast_in_dim3A = arith.constant 1 : i32
    %broadcast_in_dim3A_65 = vector.broadcast %broadcast_in_dim3A : i32 to vector<16xi32>
    %dma_wait3A = arith.constant 0 : i32
    %dma_wait3A_66 = tpu.memref_slice %arg2[%select_n3A, %add3A_34, %dma_wait3A] : memref<16x512x512xi32, #tpu.memory_space<hbm>> -> memref<1x32x512xi32, #tpu.memory_space<hbm>>
    %dma_wait3A_67 = tpu.memref_squeeze %dma_wait3A_66 : memref<1x32x512xi32, #tpu.memory_space<hbm>> -> memref<32x512xi32, #tpu.memory_space<hbm>>
    %dma_wait3A_68 = arith.constant 0 : i32
    %dma_wait3A_69 = tpu.memref_slice %arg2[%select_n3A, %add3A_34, %dma_wait3A_68] : memref<16x512x512xi32, #tpu.memory_space<hbm>> -> memref<1x32x512xi32, #tpu.memory_space<hbm>>
    %dma_wait3A_70 = tpu.memref_squeeze %dma_wait3A_69 : memref<1x32x512xi32, #tpu.memory_space<hbm>> -> memref<32x512xi32, #tpu.memory_space<hbm>>
    tpu.wait_dma2 semaphore(%arg11 : memref<!tpu.dma_semaphore, #tpu.memory_space<semaphore_mem>>) src(%dma_wait3A_70 : memref<32x512xi32, #tpu.memory_space<hbm>>) dst(%arg5 : memref<32x512xi32, #tpu.memory_space<vmem>>)
    %dma_wait3A_71 = arith.constant 0 : i32
    %dma_wait3A_72 = tpu.memref_slice %arg3[%select_n3A, %add3A_34, %dma_wait3A_71] : memref<16x512x512xi32, #tpu.memory_space<hbm>> -> memref<1x32x512xi32, #tpu.memory_space<hbm>>
    %dma_wait3A_73 = tpu.memref_squeeze %dma_wait3A_72 : memref<1x32x512xi32, #tpu.memory_space<hbm>> -> memref<32x512xi32, #tpu.memory_space<hbm>>
    %dma_wait3A_74 = arith.constant 0 : i32
    %dma_wait3A_75 = tpu.memref_slice %arg3[%select_n3A, %add3A_34, %dma_wait3A_74] : memref<16x512x512xi32, #tpu.memory_space<hbm>> -> memref<1x32x512xi32, #tpu.memory_space<hbm>>
    %dma_wait3A_76 = tpu.memref_squeeze %dma_wait3A_75 : memref<1x32x512xi32, #tpu.memory_space<hbm>> -> memref<32x512xi32, #tpu.memory_space<hbm>>
    tpu.wait_dma2 semaphore(%arg11 : memref<!tpu.dma_semaphore, #tpu.memory_space<semaphore_mem>>) src(%dma_wait3A_76 : memref<32x512xi32, #tpu.memory_space<hbm>>) dst(%arg6 : memref<32x512xi32, #tpu.memory_space<vmem>>)
    %parallel_loop3A_77 = arith.constant 0 : i32
    %parallel_loop3A_78 = arith.constant 1024 : i32
    %parallel_loop3A_79 = arith.constant 1 : i32
    scf.for %parallel_loop3A_272 = %parallel_loop3A_77 to %parallel_loop3A_78 step %parallel_loop3A_79  : i32 {
      %parallel_loop3A_273 = arith.constant 32 : i32
      %parallel_loop3A_274 = arith.divsi %parallel_loop3A_272, %parallel_loop3A_273 : i32
      %parallel_loop3A_275 = arith.constant 0 : i32
      %parallel_loop3A_276 = arith.cmpi sgt, %parallel_loop3A_272, %parallel_loop3A_275 : i32
      %parallel_loop3A_277 = arith.extui %parallel_loop3A_276 : i1 to i32
      %parallel_loop3A_278 = arith.constant 0 : i32
      %parallel_loop3A_279 = arith.cmpi slt, %parallel_loop3A_272, %parallel_loop3A_278 : i32
      %parallel_loop3A_280 = arith.extui %parallel_loop3A_279 : i1 to i32
      %parallel_loop3A_281 = arith.subi %parallel_loop3A_277, %parallel_loop3A_280 : i32
      %parallel_loop3A_282 = arith.constant 0 : i32
      %parallel_loop3A_283 = arith.cmpi sgt, %parallel_loop3A_273, %parallel_loop3A_282 : i32
      %parallel_loop3A_284 = arith.extui %parallel_loop3A_283 : i1 to i32
      %parallel_loop3A_285 = arith.constant 0 : i32
      %parallel_loop3A_286 = arith.cmpi slt, %parallel_loop3A_273, %parallel_loop3A_285 : i32
      %parallel_loop3A_287 = arith.extui %parallel_loop3A_286 : i1 to i32
      %parallel_loop3A_288 = arith.subi %parallel_loop3A_284, %parallel_loop3A_287 : i32
      %parallel_loop3A_289 = arith.cmpi ne, %parallel_loop3A_281, %parallel_loop3A_288 : i32
      %parallel_loop3A_290 = arith.remsi %parallel_loop3A_272, %parallel_loop3A_273 : i32
      %parallel_loop3A_291 = arith.constant 0 : i32
      %parallel_loop3A_292 = arith.cmpi ne, %parallel_loop3A_290, %parallel_loop3A_291 : i32
      %parallel_loop3A_293 = arith.andi %parallel_loop3A_289, %parallel_loop3A_292 : i1
      %parallel_loop3A_294 = arith.constant 1 : i32
      %parallel_loop3A_295 = arith.subi %parallel_loop3A_274, %parallel_loop3A_294 : i32
      %parallel_loop3A_296 = arith.select %parallel_loop3A_293, %parallel_loop3A_295, %parallel_loop3A_274 : i32
      %parallel_loop3A_297 = arith.constant 32 : i32
      %parallel_loop3A_298 = arith.constant 0 : i32
      %parallel_loop3A_299 = arith.cmpi eq, %parallel_loop3A_297, %parallel_loop3A_298 : i32
      %parallel_loop3A_300 = arith.constant 1 : i32
      %parallel_loop3A_301 = arith.select %parallel_loop3A_299, %parallel_loop3A_300, %parallel_loop3A_297 : i32
      %parallel_loop3A_302 = arith.remsi %parallel_loop3A_272, %parallel_loop3A_301 : i32
      %parallel_loop3A_303 = arith.constant 0 : i32
      %parallel_loop3A_304 = arith.cmpi ne, %parallel_loop3A_302, %parallel_loop3A_303 : i32
      %parallel_loop3A_305 = arith.constant 0 : i32
      %parallel_loop3A_306 = arith.cmpi slt, %parallel_loop3A_302, %parallel_loop3A_305 : i32
      %parallel_loop3A_307 = arith.constant 0 : i32
      %parallel_loop3A_308 = arith.cmpi slt, %parallel_loop3A_301, %parallel_loop3A_307 : i32
      %parallel_loop3A_309 = arith.xori %parallel_loop3A_306, %parallel_loop3A_308 : i1
      %parallel_loop3A_310 = arith.andi %parallel_loop3A_309, %parallel_loop3A_304 : i1
      %parallel_loop3A_311 = arith.addi %parallel_loop3A_302, %parallel_loop3A_301 : i32
      %parallel_loop3A_312 = arith.select %parallel_loop3A_310, %parallel_loop3A_311, %parallel_loop3A_302 : i32
      %parallel_loop3A_313 = arith.constant 16 : i32
      %parallel_loop3A_314 = arith.muli %parallel_loop3A_312, %parallel_loop3A_313 : i32
      %parallel_loop3A_315 = arith.index_cast %parallel_loop3A_296 : i32 to index
      %parallel_loop3A_316 = arith.index_cast %parallel_loop3A_314 : i32 to index
      %parallel_loop3A_317 = tpu.vector_load %arg5[%parallel_loop3A_315, %parallel_loop3A_316] {strides = array<i32>} : memref<32x512xi32, #tpu.memory_space<vmem>>, vector<16xi32>,
      %parallel_loop3A_318 = arith.index_cast %parallel_loop3A_296 : i32 to index
      %parallel_loop3A_319 = arith.index_cast %parallel_loop3A_314 : i32 to index
      %parallel_loop3A_320 = tpu.vector_load %arg6[%parallel_loop3A_318, %parallel_loop3A_319] {strides = array<i32>} : memref<32x512xi32, #tpu.memory_space<vmem>>, vector<16xi32>,
      %parallel_loop3A_321 = arith.constant 32 : i32
      %parallel_loop3A_322 = vector.broadcast %parallel_loop3A_321 : i32 to vector<16xi32>
      %parallel_loop3A_323 = arith.muli %parallel_loop3A_320, %parallel_loop3A_322 : vector<16xi32>
      %parallel_loop3A_324 = arith.addi %mul3A_64, %parallel_loop3A_323 : vector<16xi32>
      %parallel_loop3A_325 = arith.addi %parallel_loop3A_324, %parallel_loop3A_317 : vector<16xi32>
      tpu.vector_store_idx %arg9[%parallel_loop3A_325], %broadcast_in_dim3A_65 {add = true} : memref<16496xi32, #tpu.memory_space<vmem>>[vector<16xi32>], vector<16xi32>,
    } {sc.loop_unroll_factor = 8 : i64, sc.parallel_access}
    %add3A_80 = arith.constant 64 : i32
    %add3A_81 = arith.addi %mul3A_32, %add3A_80 : i32
    %dma_start3A_82 = arith.constant 0 : i32
    %dma_start3A_83 = tpu.memref_slice %arg2[%select_n3A, %add3A_81, %dma_start3A_82] : memref<16x512x512xi32, #tpu.memory_space<hbm>> -> memref<1x32x512xi32, #tpu.memory_space<hbm>>
    %dma_start3A_84 = tpu.memref_squeeze %dma_start3A_83 : memref<1x32x512xi32, #tpu.memory_space<hbm>> -> memref<32x512xi32, #tpu.memory_space<hbm>>
    %dma_start3A_85 = arith.constant 0 : i32
    %dma_start3A_86 = tpu.memref_slice %arg2[%select_n3A, %add3A_81, %dma_start3A_85] : memref<16x512x512xi32, #tpu.memory_space<hbm>> -> memref<1x32x512xi32, #tpu.memory_space<hbm>>
    %dma_start3A_87 = tpu.memref_squeeze %dma_start3A_86 : memref<1x32x512xi32, #tpu.memory_space<hbm>> -> memref<32x512xi32, #tpu.memory_space<hbm>>
    tpu.enqueue_dma source(%dma_start3A_87 : memref<32x512xi32, #tpu.memory_space<hbm>>) target(%arg5 : memref<32x512xi32, #tpu.memory_space<vmem>>) target_semaphore(%arg11 : memref<!tpu.dma_semaphore, #tpu.memory_space<semaphore_mem>>)
    %dma_start3A_88 = arith.constant 0 : i32
    %dma_start3A_89 = tpu.memref_slice %arg3[%select_n3A, %add3A_81, %dma_start3A_88] : memref<16x512x512xi32, #tpu.memory_space<hbm>> -> memref<1x32x512xi32, #tpu.memory_space<hbm>>
    %dma_start3A_90 = tpu.memref_squeeze %dma_start3A_89 : memref<1x32x512xi32, #tpu.memory_space<hbm>> -> memref<32x512xi32, #tpu.memory_space<hbm>>
    %dma_start3A_91 = arith.constant 0 : i32
    %dma_start3A_92 = tpu.memref_slice %arg3[%select_n3A, %add3A_81, %dma_start3A_91] : memref<16x512x512xi32, #tpu.memory_space<hbm>> -> memref<1x32x512xi32, #tpu.memory_space<hbm>>
    %dma_start3A_93 = tpu.memref_squeeze %dma_start3A_92 : memref<1x32x512xi32, #tpu.memory_space<hbm>> -> memref<32x512xi32, #tpu.memory_space<hbm>>
    tpu.enqueue_dma source(%dma_start3A_93 : memref<32x512xi32, #tpu.memory_space<hbm>>) target(%arg6 : memref<32x512xi32, #tpu.memory_space<vmem>>) target_semaphore(%arg11 : memref<!tpu.dma_semaphore, #tpu.memory_space<semaphore_mem>>)
    %dma_wait3A_94 = arith.constant 0 : i32
    %dma_wait3A_95 = tpu.memref_slice %arg2[%select_n3A, %add3A_47, %dma_wait3A_94] : memref<16x512x512xi32, #tpu.memory_space<hbm>> -> memref<1x32x512xi32, #tpu.memory_space<hbm>>
    %dma_wait3A_96 = tpu.memref_squeeze %dma_wait3A_95 : memref<1x32x512xi32, #tpu.memory_space<hbm>> -> memref<32x512xi32, #tpu.memory_space<hbm>>
    %dma_wait3A_97 = arith.constant 0 : i32
    %dma_wait3A_98 = tpu.memref_slice %arg2[%select_n3A, %add3A_47, %dma_wait3A_97] : memref<16x512x512xi32, #tpu.memory_space<hbm>> -> memref<1x32x512xi32, #tpu.memory_space<hbm>>
    %dma_wait3A_99 = tpu.memref_squeeze %dma_wait3A_98 : memref<1x32x512xi32, #tpu.memory_space<hbm>> -> memref<32x512xi32, #tpu.memory_space<hbm>>
    tpu.wait_dma2 semaphore(%arg12 : memref<!tpu.dma_semaphore, #tpu.memory_space<semaphore_mem>>) src(%dma_wait3A_99 : memref<32x512xi32, #tpu.memory_space<hbm>>) dst(%arg7 : memref<32x512xi32, #tpu.memory_space<vmem>>)
    %dma_wait3A_100 = arith.constant 0 : i32
    %dma_wait3A_101 = tpu.memref_slice %arg3[%select_n3A, %add3A_47, %dma_wait3A_100] : memref<16x512x512xi32, #tpu.memory_space<hbm>> -> memref<1x32x512xi32, #tpu.memory_space<hbm>>
    %dma_wait3A_102 = tpu.memref_squeeze %dma_wait3A_101 : memref<1x32x512xi32, #tpu.memory_space<hbm>> -> memref<32x512xi32, #tpu.memory_space<hbm>>
    %dma_wait3A_103 = arith.constant 0 : i32
    %dma_wait3A_104 = tpu.memref_slice %arg3[%select_n3A, %add3A_47, %dma_wait3A_103] : memref<16x512x512xi32, #tpu.memory_space<hbm>> -> memref<1x32x512xi32, #tpu.memory_space<hbm>>
    %dma_wait3A_105 = tpu.memref_squeeze %dma_wait3A_104 : memref<1x32x512xi32, #tpu.memory_space<hbm>> -> memref<32x512xi32, #tpu.memory_space<hbm>>
    tpu.wait_dma2 semaphore(%arg12 : memref<!tpu.dma_semaphore, #tpu.memory_space<semaphore_mem>>) src(%dma_wait3A_105 : memref<32x512xi32, #tpu.memory_space<hbm>>) dst(%arg8 : memref<32x512xi32, #tpu.memory_space<vmem>>)
    %parallel_loop3A_106 = arith.constant 0 : i32
    %parallel_loop3A_107 = arith.constant 1024 : i32
    %parallel_loop3A_108 = arith.constant 1 : i32
    scf.for %parallel_loop3A_272 = %parallel_loop3A_106 to %parallel_loop3A_107 step %parallel_loop3A_108  : i32 {
      %parallel_loop3A_273 = arith.constant 32 : i32
      %parallel_loop3A_274 = arith.divsi %parallel_loop3A_272, %parallel_loop3A_273 : i32
      %parallel_loop3A_275 = arith.constant 0 : i32
      %parallel_loop3A_276 = arith.cmpi sgt, %parallel_loop3A_272, %parallel_loop3A_275 : i32
      %parallel_loop3A_277 = arith.extui %parallel_loop3A_276 : i1 to i32
      %parallel_loop3A_278 = arith.constant 0 : i32
      %parallel_loop3A_279 = arith.cmpi slt, %parallel_loop3A_272, %parallel_loop3A_278 : i32
      %parallel_loop3A_280 = arith.extui %parallel_loop3A_279 : i1 to i32
      %parallel_loop3A_281 = arith.subi %parallel_loop3A_277, %parallel_loop3A_280 : i32
      %parallel_loop3A_282 = arith.constant 0 : i32
      %parallel_loop3A_283 = arith.cmpi sgt, %parallel_loop3A_273, %parallel_loop3A_282 : i32
      %parallel_loop3A_284 = arith.extui %parallel_loop3A_283 : i1 to i32
      %parallel_loop3A_285 = arith.constant 0 : i32
      %parallel_loop3A_286 = arith.cmpi slt, %parallel_loop3A_273, %parallel_loop3A_285 : i32
      %parallel_loop3A_287 = arith.extui %parallel_loop3A_286 : i1 to i32
      %parallel_loop3A_288 = arith.subi %parallel_loop3A_284, %parallel_loop3A_287 : i32
      %parallel_loop3A_289 = arith.cmpi ne, %parallel_loop3A_281, %parallel_loop3A_288 : i32
      %parallel_loop3A_290 = arith.remsi %parallel_loop3A_272, %parallel_loop3A_273 : i32
      %parallel_loop3A_291 = arith.constant 0 : i32
      %parallel_loop3A_292 = arith.cmpi ne, %parallel_loop3A_290, %parallel_loop3A_291 : i32
      %parallel_loop3A_293 = arith.andi %parallel_loop3A_289, %parallel_loop3A_292 : i1
      %parallel_loop3A_294 = arith.constant 1 : i32
      %parallel_loop3A_295 = arith.subi %parallel_loop3A_274, %parallel_loop3A_294 : i32
      %parallel_loop3A_296 = arith.select %parallel_loop3A_293, %parallel_loop3A_295, %parallel_loop3A_274 : i32
      %parallel_loop3A_297 = arith.constant 32 : i32
      %parallel_loop3A_298 = arith.constant 0 : i32
      %parallel_loop3A_299 = arith.cmpi eq, %parallel_loop3A_297, %parallel_loop3A_298 : i32
      %parallel_loop3A_300 = arith.constant 1 : i32
      %parallel_loop3A_301 = arith.select %parallel_loop3A_299, %parallel_loop3A_300, %parallel_loop3A_297 : i32
      %parallel_loop3A_302 = arith.remsi %parallel_loop3A_272, %parallel_loop3A_301 : i32
      %parallel_loop3A_303 = arith.constant 0 : i32
      %parallel_loop3A_304 = arith.cmpi ne, %parallel_loop3A_302, %parallel_loop3A_303 : i32
      %parallel_loop3A_305 = arith.constant 0 : i32
      %parallel_loop3A_306 = arith.cmpi slt, %parallel_loop3A_302, %parallel_loop3A_305 : i32
      %parallel_loop3A_307 = arith.constant 0 : i32
      %parallel_loop3A_308 = arith.cmpi slt, %parallel_loop3A_301, %parallel_loop3A_307 : i32
      %parallel_loop3A_309 = arith.xori %parallel_loop3A_306, %parallel_loop3A_308 : i1
      %parallel_loop3A_310 = arith.andi %parallel_loop3A_309, %parallel_loop3A_304 : i1
      %parallel_loop3A_311 = arith.addi %parallel_loop3A_302, %parallel_loop3A_301 : i32
      %parallel_loop3A_312 = arith.select %parallel_loop3A_310, %parallel_loop3A_311, %parallel_loop3A_302 : i32
      %parallel_loop3A_313 = arith.constant 16 : i32
      %parallel_loop3A_314 = arith.muli %parallel_loop3A_312, %parallel_loop3A_313 : i32
      %parallel_loop3A_315 = arith.index_cast %parallel_loop3A_296 : i32 to index
      %parallel_loop3A_316 = arith.index_cast %parallel_loop3A_314 : i32 to index
      %parallel_loop3A_317 = tpu.vector_load %arg7[%parallel_loop3A_315, %parallel_loop3A_316] {strides = array<i32>} : memref<32x512xi32, #tpu.memory_space<vmem>>, vector<16xi32>,
      %parallel_loop3A_318 = arith.index_cast %parallel_loop3A_296 : i32 to index
      %parallel_loop3A_319 = arith.index_cast %parallel_loop3A_314 : i32 to index
      %parallel_loop3A_320 = tpu.vector_load %arg8[%parallel_loop3A_318, %parallel_loop3A_319] {strides = array<i32>} : memref<32x512xi32, #tpu.memory_space<vmem>>, vector<16xi32>,
      %parallel_loop3A_321 = arith.constant 32 : i32
      %parallel_loop3A_322 = vector.broadcast %parallel_loop3A_321 : i32 to vector<16xi32>
      %parallel_loop3A_323 = arith.muli %parallel_loop3A_320, %parallel_loop3A_322 : vector<16xi32>
      %parallel_loop3A_324 = arith.addi %mul3A_64, %parallel_loop3A_323 : vector<16xi32>
      %parallel_loop3A_325 = arith.addi %parallel_loop3A_324, %parallel_loop3A_317 : vector<16xi32>
      tpu.vector_store_idx %arg9[%parallel_loop3A_325], %broadcast_in_dim3A_65 {add = true} : memref<16496xi32, #tpu.memory_space<vmem>>[vector<16xi32>], vector<16xi32>,
    } {sc.loop_unroll_factor = 8 : i64, sc.parallel_access}
    %add3A_109 = arith.constant 96 : i32
    %add3A_110 = arith.addi %mul3A_32, %add3A_109 : i32
    %dma_start3A_111 = arith.constant 0 : i32
    %dma_start3A_112 = tpu.memref_slice %arg2[%select_n3A, %add3A_110, %dma_start3A_111] : memref<16x512x512xi32, #tpu.memory_space<hbm>> -> memref<1x32x512xi32, #tpu.memory_space<hbm>>
    %dma_start3A_113 = tpu.memref_squeeze %dma_start3A_112 : memref<1x32x512xi32, #tpu.memory_space<hbm>> -> memref<32x512xi32, #tpu.memory_space<hbm>>
    %dma_start3A_114 = arith.constant 0 : i32
    %dma_start3A_115 = tpu.memref_slice %arg2[%select_n3A, %add3A_110, %dma_start3A_114] : memref<16x512x512xi32, #tpu.memory_space<hbm>> -> memref<1x32x512xi32, #tpu.memory_space<hbm>>
    %dma_start3A_116 = tpu.memref_squeeze %dma_start3A_115 : memref<1x32x512xi32, #tpu.memory_space<hbm>> -> memref<32x512xi32, #tpu.memory_space<hbm>>
    tpu.enqueue_dma source(%dma_start3A_116 : memref<32x512xi32, #tpu.memory_space<hbm>>) target(%arg7 : memref<32x512xi32, #tpu.memory_space<vmem>>) target_semaphore(%arg12 : memref<!tpu.dma_semaphore, #tpu.memory_space<semaphore_mem>>)
    %dma_start3A_117 = arith.constant 0 : i32
    %dma_start3A_118 = tpu.memref_slice %arg3[%select_n3A, %add3A_110, %dma_start3A_117] : memref<16x512x512xi32, #tpu.memory_space<hbm>> -> memref<1x32x512xi32, #tpu.memory_space<hbm>>
    %dma_start3A_119 = tpu.memref_squeeze %dma_start3A_118 : memref<1x32x512xi32, #tpu.memory_space<hbm>> -> memref<32x512xi32, #tpu.memory_space<hbm>>
    %dma_start3A_120 = arith.constant 0 : i32
    %dma_start3A_121 = tpu.memref_slice %arg3[%select_n3A, %add3A_110, %dma_start3A_120] : memref<16x512x512xi32, #tpu.memory_space<hbm>> -> memref<1x32x512xi32, #tpu.memory_space<hbm>>
    %dma_start3A_122 = tpu.memref_squeeze %dma_start3A_121 : memref<1x32x512xi32, #tpu.memory_space<hbm>> -> memref<32x512xi32, #tpu.memory_space<hbm>>
    tpu.enqueue_dma source(%dma_start3A_122 : memref<32x512xi32, #tpu.memory_space<hbm>>) target(%arg8 : memref<32x512xi32, #tpu.memory_space<vmem>>) target_semaphore(%arg12 : memref<!tpu.dma_semaphore, #tpu.memory_space<semaphore_mem>>)
    %dma_wait3A_123 = arith.constant 0 : i32
    %dma_wait3A_124 = tpu.memref_slice %arg2[%select_n3A, %add3A_81, %dma_wait3A_123] : memref<16x512x512xi32, #tpu.memory_space<hbm>> -> memref<1x32x512xi32, #tpu.memory_space<hbm>>
    %dma_wait3A_125 = tpu.memref_squeeze %dma_wait3A_124 : memref<1x32x512xi32, #tpu.memory_space<hbm>> -> memref<32x512xi32, #tpu.memory_space<hbm>>
    %dma_wait3A_126 = arith.constant 0 : i32
    %dma_wait3A_127 = tpu.memref_slice %arg2[%select_n3A, %add3A_81, %dma_wait3A_126] : memref<16x512x512xi32, #tpu.memory_space<hbm>> -> memref<1x32x512xi32, #tpu.memory_space<hbm>>
    %dma_wait3A_128 = tpu.memref_squeeze %dma_wait3A_127 : memref<1x32x512xi32, #tpu.memory_space<hbm>> -> memref<32x512xi32, #tpu.memory_space<hbm>>
    tpu.wait_dma2 semaphore(%arg11 : memref<!tpu.dma_semaphore, #tpu.memory_space<semaphore_mem>>) src(%dma_wait3A_128 : memref<32x512xi32, #tpu.memory_space<hbm>>) dst(%arg5 : memref<32x512xi32, #tpu.memory_space<vmem>>)
    %dma_wait3A_129 = arith.constant 0 : i32
    %dma_wait3A_130 = tpu.memref_slice %arg3[%select_n3A, %add3A_81, %dma_wait3A_129] : memref<16x512x512xi32, #tpu.memory_space<hbm>> -> memref<1x32x512xi32, #tpu.memory_space<hbm>>
    %dma_wait3A_131 = tpu.memref_squeeze %dma_wait3A_130 : memref<1x32x512xi32, #tpu.memory_space<hbm>> -> memref<32x512xi32, #tpu.memory_space<hbm>>
    %dma_wait3A_132 = arith.constant 0 : i32
    %dma_wait3A_133 = tpu.memref_slice %arg3[%select_n3A, %add3A_81, %dma_wait3A_132] : memref<16x512x512xi32, #tpu.memory_space<hbm>> -> memref<1x32x512xi32, #tpu.memory_space<hbm>>
    %dma_wait3A_134 = tpu.memref_squeeze %dma_wait3A_133 : memref<1x32x512xi32, #tpu.memory_space<hbm>> -> memref<32x512xi32, #tpu.memory_space<hbm>>
    tpu.wait_dma2 semaphore(%arg11 : memref<!tpu.dma_semaphore, #tpu.memory_space<semaphore_mem>>) src(%dma_wait3A_134 : memref<32x512xi32, #tpu.memory_space<hbm>>) dst(%arg6 : memref<32x512xi32, #tpu.memory_space<vmem>>)
    %parallel_loop3A_135 = arith.constant 0 : i32
    %parallel_loop3A_136 = arith.constant 1024 : i32
    %parallel_loop3A_137 = arith.constant 1 : i32
    scf.for %parallel_loop3A_272 = %parallel_loop3A_135 to %parallel_loop3A_136 step %parallel_loop3A_137  : i32 {
      %parallel_loop3A_273 = arith.constant 32 : i32
      %parallel_loop3A_274 = arith.divsi %parallel_loop3A_272, %parallel_loop3A_273 : i32
      %parallel_loop3A_275 = arith.constant 0 : i32
      %parallel_loop3A_276 = arith.cmpi sgt, %parallel_loop3A_272, %parallel_loop3A_275 : i32
      %parallel_loop3A_277 = arith.extui %parallel_loop3A_276 : i1 to i32
      %parallel_loop3A_278 = arith.constant 0 : i32
      %parallel_loop3A_279 = arith.cmpi slt, %parallel_loop3A_272, %parallel_loop3A_278 : i32
      %parallel_loop3A_280 = arith.extui %parallel_loop3A_279 : i1 to i32
      %parallel_loop3A_281 = arith.subi %parallel_loop3A_277, %parallel_loop3A_280 : i32
      %parallel_loop3A_282 = arith.constant 0 : i32
      %parallel_loop3A_283 = arith.cmpi sgt, %parallel_loop3A_273, %parallel_loop3A_282 : i32
      %parallel_loop3A_284 = arith.extui %parallel_loop3A_283 : i1 to i32
      %parallel_loop3A_285 = arith.constant 0 : i32
      %parallel_loop3A_286 = arith.cmpi slt, %parallel_loop3A_273, %parallel_loop3A_285 : i32
      %parallel_loop3A_287 = arith.extui %parallel_loop3A_286 : i1 to i32
      %parallel_loop3A_288 = arith.subi %parallel_loop3A_284, %parallel_loop3A_287 : i32
      %parallel_loop3A_289 = arith.cmpi ne, %parallel_loop3A_281, %parallel_loop3A_288 : i32
      %parallel_loop3A_290 = arith.remsi %parallel_loop3A_272, %parallel_loop3A_273 : i32
      %parallel_loop3A_291 = arith.constant 0 : i32
      %parallel_loop3A_292 = arith.cmpi ne, %parallel_loop3A_290, %parallel_loop3A_291 : i32
      %parallel_loop3A_293 = arith.andi %parallel_loop3A_289, %parallel_loop3A_292 : i1
      %parallel_loop3A_294 = arith.constant 1 : i32
      %parallel_loop3A_295 = arith.subi %parallel_loop3A_274, %parallel_loop3A_294 : i32
      %parallel_loop3A_296 = arith.select %parallel_loop3A_293, %parallel_loop3A_295, %parallel_loop3A_274 : i32
      %parallel_loop3A_297 = arith.constant 32 : i32
      %parallel_loop3A_298 = arith.constant 0 : i32
      %parallel_loop3A_299 = arith.cmpi eq, %parallel_loop3A_297, %parallel_loop3A_298 : i32
      %parallel_loop3A_300 = arith.constant 1 : i32
      %parallel_loop3A_301 = arith.select %parallel_loop3A_299, %parallel_loop3A_300, %parallel_loop3A_297 : i32
      %parallel_loop3A_302 = arith.remsi %parallel_loop3A_272, %parallel_loop3A_301 : i32
      %parallel_loop3A_303 = arith.constant 0 : i32
      %parallel_loop3A_304 = arith.cmpi ne, %parallel_loop3A_302, %parallel_loop3A_303 : i32
      %parallel_loop3A_305 = arith.constant 0 : i32
      %parallel_loop3A_306 = arith.cmpi slt, %parallel_loop3A_302, %parallel_loop3A_305 : i32
      %parallel_loop3A_307 = arith.constant 0 : i32
      %parallel_loop3A_308 = arith.cmpi slt, %parallel_loop3A_301, %parallel_loop3A_307 : i32
      %parallel_loop3A_309 = arith.xori %parallel_loop3A_306, %parallel_loop3A_308 : i1
      %parallel_loop3A_310 = arith.andi %parallel_loop3A_309, %parallel_loop3A_304 : i1
      %parallel_loop3A_311 = arith.addi %parallel_loop3A_302, %parallel_loop3A_301 : i32
      %parallel_loop3A_312 = arith.select %parallel_loop3A_310, %parallel_loop3A_311, %parallel_loop3A_302 : i32
      %parallel_loop3A_313 = arith.constant 16 : i32
      %parallel_loop3A_314 = arith.muli %parallel_loop3A_312, %parallel_loop3A_313 : i32
      %parallel_loop3A_315 = arith.index_cast %parallel_loop3A_296 : i32 to index
      %parallel_loop3A_316 = arith.index_cast %parallel_loop3A_314 : i32 to index
      %parallel_loop3A_317 = tpu.vector_load %arg5[%parallel_loop3A_315, %parallel_loop3A_316] {strides = array<i32>} : memref<32x512xi32, #tpu.memory_space<vmem>>, vector<16xi32>,
      %parallel_loop3A_318 = arith.index_cast %parallel_loop3A_296 : i32 to index
      %parallel_loop3A_319 = arith.index_cast %parallel_loop3A_314 : i32 to index
      %parallel_loop3A_320 = tpu.vector_load %arg6[%parallel_loop3A_318, %parallel_loop3A_319] {strides = array<i32>} : memref<32x512xi32, #tpu.memory_space<vmem>>, vector<16xi32>,
      %parallel_loop3A_321 = arith.constant 32 : i32
      %parallel_loop3A_322 = vector.broadcast %parallel_loop3A_321 : i32 to vector<16xi32>
      %parallel_loop3A_323 = arith.muli %parallel_loop3A_320, %parallel_loop3A_322 : vector<16xi32>
      %parallel_loop3A_324 = arith.addi %mul3A_64, %parallel_loop3A_323 : vector<16xi32>
      %parallel_loop3A_325 = arith.addi %parallel_loop3A_324, %parallel_loop3A_317 : vector<16xi32>
      tpu.vector_store_idx %arg9[%parallel_loop3A_325], %broadcast_in_dim3A_65 {add = true} : memref<16496xi32, #tpu.memory_space<vmem>>[vector<16xi32>], vector<16xi32>,
    } {sc.loop_unroll_factor = 8 : i64, sc.parallel_access}
    %add3A_138 = arith.constant 128 : i32
    %add3A_139 = arith.addi %mul3A_32, %add3A_138 : i32
    %dma_start3A_140 = arith.constant 0 : i32
    %dma_start3A_141 = tpu.memref_slice %arg2[%select_n3A, %add3A_139, %dma_start3A_140] : memref<16x512x512xi32, #tpu.memory_space<hbm>> -> memref<1x32x512xi32, #tpu.memory_space<hbm>>
    %dma_start3A_142 = tpu.memref_squeeze %dma_start3A_141 : memref<1x32x512xi32, #tpu.memory_space<hbm>> -> memref<32x512xi32, #tpu.memory_space<hbm>>
    %dma_start3A_143 = arith.constant 0 : i32
    %dma_start3A_144 = tpu.memref_slice %arg2[%select_n3A, %add3A_139, %dma_start3A_143] : memref<16x512x512xi32, #tpu.memory_space<hbm>> -> memref<1x32x512xi32, #tpu.memory_space<hbm>>
    %dma_start3A_145 = tpu.memref_squeeze %dma_start3A_144 : memref<1x32x512xi32, #tpu.memory_space<hbm>> -> memref<32x512xi32, #tpu.memory_space<hbm>>
    tpu.enqueue_dma source(%dma_start3A_145 : memref<32x512xi32, #tpu.memory_space<hbm>>) target(%arg5 : memref<32x512xi32, #tpu.memory_space<vmem>>) target_semaphore(%arg11 : memref<!tpu.dma_semaphore, #tpu.memory_space<semaphore_mem>>)
    %dma_start3A_146 = arith.constant 0 : i32
    %dma_start3A_147 = tpu.memref_slice %arg3[%select_n3A, %add3A_139, %dma_start3A_146] : memref<16x512x512xi32, #tpu.memory_space<hbm>> -> memref<1x32x512xi32, #tpu.memory_space<hbm>>
    %dma_start3A_148 = tpu.memref_squeeze %dma_start3A_147 : memref<1x32x512xi32, #tpu.memory_space<hbm>> -> memref<32x512xi32, #tpu.memory_space<hbm>>
    %dma_start3A_149 = arith.constant 0 : i32
    %dma_start3A_150 = tpu.memref_slice %arg3[%select_n3A, %add3A_139, %dma_start3A_149] : memref<16x512x512xi32, #tpu.memory_space<hbm>> -> memref<1x32x512xi32, #tpu.memory_space<hbm>>
    %dma_start3A_151 = tpu.memref_squeeze %dma_start3A_150 : memref<1x32x512xi32, #tpu.memory_space<hbm>> -> memref<32x512xi32, #tpu.memory_space<hbm>>
    tpu.enqueue_dma source(%dma_start3A_151 : memref<32x512xi32, #tpu.memory_space<hbm>>) target(%arg6 : memref<32x512xi32, #tpu.memory_space<vmem>>) target_semaphore(%arg11 : memref<!tpu.dma_semaphore, #tpu.memory_space<semaphore_mem>>)
    %dma_wait3A_152 = arith.constant 0 : i32
    %dma_wait3A_153 = tpu.memref_slice %arg2[%select_n3A, %add3A_110, %dma_wait3A_152] : memref<16x512x512xi32, #tpu.memory_space<hbm>> -> memref<1x32x512xi32, #tpu.memory_space<hbm>>
    %dma_wait3A_154 = tpu.memref_squeeze %dma_wait3A_153 : memref<1x32x512xi32, #tpu.memory_space<hbm>> -> memref<32x512xi32, #tpu.memory_space<hbm>>
    %dma_wait3A_155 = arith.constant 0 : i32
    %dma_wait3A_156 = tpu.memref_slice %arg2[%select_n3A, %add3A_110, %dma_wait3A_155] : memref<16x512x512xi32, #tpu.memory_space<hbm>> -> memref<1x32x512xi32, #tpu.memory_space<hbm>>
    %dma_wait3A_157 = tpu.memref_squeeze %dma_wait3A_156 : memref<1x32x512xi32, #tpu.memory_space<hbm>> -> memref<32x512xi32, #tpu.memory_space<hbm>>
    tpu.wait_dma2 semaphore(%arg12 : memref<!tpu.dma_semaphore, #tpu.memory_space<semaphore_mem>>) src(%dma_wait3A_157 : memref<32x512xi32, #tpu.memory_space<hbm>>) dst(%arg7 : memref<32x512xi32, #tpu.memory_space<vmem>>)
    %dma_wait3A_158 = arith.constant 0 : i32
    %dma_wait3A_159 = tpu.memref_slice %arg3[%select_n3A, %add3A_110, %dma_wait3A_158] : memref<16x512x512xi32, #tpu.memory_space<hbm>> -> memref<1x32x512xi32, #tpu.memory_space<hbm>>
    %dma_wait3A_160 = tpu.memref_squeeze %dma_wait3A_159 : memref<1x32x512xi32, #tpu.memory_space<hbm>> -> memref<32x512xi32, #tpu.memory_space<hbm>>
    %dma_wait3A_161 = arith.constant 0 : i32
    %dma_wait3A_162 = tpu.memref_slice %arg3[%select_n3A, %add3A_110, %dma_wait3A_161] : memref<16x512x512xi32, #tpu.memory_space<hbm>> -> memref<1x32x512xi32, #tpu.memory_space<hbm>>
    %dma_wait3A_163 = tpu.memref_squeeze %dma_wait3A_162 : memref<1x32x512xi32, #tpu.memory_space<hbm>> -> memref<32x512xi32, #tpu.memory_space<hbm>>
    tpu.wait_dma2 semaphore(%arg12 : memref<!tpu.dma_semaphore, #tpu.memory_space<semaphore_mem>>) src(%dma_wait3A_163 : memref<32x512xi32, #tpu.memory_space<hbm>>) dst(%arg8 : memref<32x512xi32, #tpu.memory_space<vmem>>)
    %parallel_loop3A_164 = arith.constant 0 : i32
    %parallel_loop3A_165 = arith.constant 1024 : i32
    %parallel_loop3A_166 = arith.constant 1 : i32
    scf.for %parallel_loop3A_272 = %parallel_loop3A_164 to %parallel_loop3A_165 step %parallel_loop3A_166  : i32 {
      %parallel_loop3A_273 = arith.constant 32 : i32
      %parallel_loop3A_274 = arith.divsi %parallel_loop3A_272, %parallel_loop3A_273 : i32
      %parallel_loop3A_275 = arith.constant 0 : i32
      %parallel_loop3A_276 = arith.cmpi sgt, %parallel_loop3A_272, %parallel_loop3A_275 : i32
      %parallel_loop3A_277 = arith.extui %parallel_loop3A_276 : i1 to i32
      %parallel_loop3A_278 = arith.constant 0 : i32
      %parallel_loop3A_279 = arith.cmpi slt, %parallel_loop3A_272, %parallel_loop3A_278 : i32
      %parallel_loop3A_280 = arith.extui %parallel_loop3A_279 : i1 to i32
      %parallel_loop3A_281 = arith.subi %parallel_loop3A_277, %parallel_loop3A_280 : i32
      %parallel_loop3A_282 = arith.constant 0 : i32
      %parallel_loop3A_283 = arith.cmpi sgt, %parallel_loop3A_273, %parallel_loop3A_282 : i32
      %parallel_loop3A_284 = arith.extui %parallel_loop3A_283 : i1 to i32
      %parallel_loop3A_285 = arith.constant 0 : i32
      %parallel_loop3A_286 = arith.cmpi slt, %parallel_loop3A_273, %parallel_loop3A_285 : i32
      %parallel_loop3A_287 = arith.extui %parallel_loop3A_286 : i1 to i32
      %parallel_loop3A_288 = arith.subi %parallel_loop3A_284, %parallel_loop3A_287 : i32
      %parallel_loop3A_289 = arith.cmpi ne, %parallel_loop3A_281, %parallel_loop3A_288 : i32
      %parallel_loop3A_290 = arith.remsi %parallel_loop3A_272, %parallel_loop3A_273 : i32
      %parallel_loop3A_291 = arith.constant 0 : i32
      %parallel_loop3A_292 = arith.cmpi ne, %parallel_loop3A_290, %parallel_loop3A_291 : i32
      %parallel_loop3A_293 = arith.andi %parallel_loop3A_289, %parallel_loop3A_292 : i1
      %parallel_loop3A_294 = arith.constant 1 : i32
      %parallel_loop3A_295 = arith.subi %parallel_loop3A_274, %parallel_loop3A_294 : i32
      %parallel_loop3A_296 = arith.select %parallel_loop3A_293, %parallel_loop3A_295, %parallel_loop3A_274 : i32
      %parallel_loop3A_297 = arith.constant 32 : i32
      %parallel_loop3A_298 = arith.constant 0 : i32
      %parallel_loop3A_299 = arith.cmpi eq, %parallel_loop3A_297, %parallel_loop3A_298 : i32
      %parallel_loop3A_300 = arith.constant 1 : i32
      %parallel_loop3A_301 = arith.select %parallel_loop3A_299, %parallel_loop3A_300, %parallel_loop3A_297 : i32
      %parallel_loop3A_302 = arith.remsi %parallel_loop3A_272, %parallel_loop3A_301 : i32
      %parallel_loop3A_303 = arith.constant 0 : i32
      %parallel_loop3A_304 = arith.cmpi ne, %parallel_loop3A_302, %parallel_loop3A_303 : i32
      %parallel_loop3A_305 = arith.constant 0 : i32
      %parallel_loop3A_306 = arith.cmpi slt, %parallel_loop3A_302, %parallel_loop3A_305 : i32
      %parallel_loop3A_307 = arith.constant 0 : i32
      %parallel_loop3A_308 = arith.cmpi slt, %parallel_loop3A_301, %parallel_loop3A_307 : i32
      %parallel_loop3A_309 = arith.xori %parallel_loop3A_306, %parallel_loop3A_308 : i1
      %parallel_loop3A_310 = arith.andi %parallel_loop3A_309, %parallel_loop3A_304 : i1
      %parallel_loop3A_311 = arith.addi %parallel_loop3A_302, %parallel_loop3A_301 : i32
      %parallel_loop3A_312 = arith.select %parallel_loop3A_310, %parallel_loop3A_311, %parallel_loop3A_302 : i32
      %parallel_loop3A_313 = arith.constant 16 : i32
      %parallel_loop3A_314 = arith.muli %parallel_loop3A_312, %parallel_loop3A_313 : i32
      %parallel_loop3A_315 = arith.index_cast %parallel_loop3A_296 : i32 to index
      %parallel_loop3A_316 = arith.index_cast %parallel_loop3A_314 : i32 to index
      %parallel_loop3A_317 = tpu.vector_load %arg7[%parallel_loop3A_315, %parallel_loop3A_316] {strides = array<i32>} : memref<32x512xi32, #tpu.memory_space<vmem>>, vector<16xi32>,
      %parallel_loop3A_318 = arith.index_cast %parallel_loop3A_296 : i32 to index
      %parallel_loop3A_319 = arith.index_cast %parallel_loop3A_314 : i32 to index
      %parallel_loop3A_320 = tpu.vector_load %arg8[%parallel_loop3A_318, %parallel_loop3A_319] {strides = array<i32>} : memref<32x512xi32, #tpu.memory_space<vmem>>, vector<16xi32>,
      %parallel_loop3A_321 = arith.constant 32 : i32
      %parallel_loop3A_322 = vector.broadcast %parallel_loop3A_321 : i32 to vector<16xi32>
      %parallel_loop3A_323 = arith.muli %parallel_loop3A_320, %parallel_loop3A_322 : vector<16xi32>
      %parallel_loop3A_324 = arith.addi %mul3A_64, %parallel_loop3A_323 : vector<16xi32>
      %parallel_loop3A_325 = arith.addi %parallel_loop3A_324, %parallel_loop3A_317 : vector<16xi32>
      tpu.vector_store_idx %arg9[%parallel_loop3A_325], %broadcast_in_dim3A_65 {add = true} : memref<16496xi32, #tpu.memory_space<vmem>>[vector<16xi32>], vector<16xi32>,
    } {sc.loop_unroll_factor = 8 : i64, sc.parallel_access}
    %add3A_167 = arith.constant 160 : i32
    %add3A_168 = arith.addi %mul3A_32, %add3A_167 : i32
    %dma_start3A_169 = arith.constant 0 : i32
    %dma_start3A_170 = tpu.memref_slice %arg2[%select_n3A, %add3A_168, %dma_start3A_169] : memref<16x512x512xi32, #tpu.memory_space<hbm>> -> memref<1x32x512xi32, #tpu.memory_space<hbm>>
    %dma_start3A_171 = tpu.memref_squeeze %dma_start3A_170 : memref<1x32x512xi32, #tpu.memory_space<hbm>> -> memref<32x512xi32, #tpu.memory_space<hbm>>
    %dma_start3A_172 = arith.constant 0 : i32
    %dma_start3A_173 = tpu.memref_slice %arg2[%select_n3A, %add3A_168, %dma_start3A_172] : memref<16x512x512xi32, #tpu.memory_space<hbm>> -> memref<1x32x512xi32, #tpu.memory_space<hbm>>
    %dma_start3A_174 = tpu.memref_squeeze %dma_start3A_173 : memref<1x32x512xi32, #tpu.memory_space<hbm>> -> memref<32x512xi32, #tpu.memory_space<hbm>>
    tpu.enqueue_dma source(%dma_start3A_174 : memref<32x512xi32, #tpu.memory_space<hbm>>) target(%arg7 : memref<32x512xi32, #tpu.memory_space<vmem>>) target_semaphore(%arg12 : memref<!tpu.dma_semaphore, #tpu.memory_space<semaphore_mem>>)
    %dma_start3A_175 = arith.constant 0 : i32
    %dma_start3A_176 = tpu.memref_slice %arg3[%select_n3A, %add3A_168, %dma_start3A_175] : memref<16x512x512xi32, #tpu.memory_space<hbm>> -> memref<1x32x512xi32, #tpu.memory_space<hbm>>
    %dma_start3A_177 = tpu.memref_squeeze %dma_start3A_176 : memref<1x32x512xi32, #tpu.memory_space<hbm>> -> memref<32x512xi32, #tpu.memory_space<hbm>>
    %dma_start3A_178 = arith.constant 0 : i32
    %dma_start3A_179 = tpu.memref_slice %arg3[%select_n3A, %add3A_168, %dma_start3A_178] : memref<16x512x512xi32, #tpu.memory_space<hbm>> -> memref<1x32x512xi32, #tpu.memory_space<hbm>>
    %dma_start3A_180 = tpu.memref_squeeze %dma_start3A_179 : memref<1x32x512xi32, #tpu.memory_space<hbm>> -> memref<32x512xi32, #tpu.memory_space<hbm>>
    tpu.enqueue_dma source(%dma_start3A_180 : memref<32x512xi32, #tpu.memory_space<hbm>>) target(%arg8 : memref<32x512xi32, #tpu.memory_space<vmem>>) target_semaphore(%arg12 : memref<!tpu.dma_semaphore, #tpu.memory_space<semaphore_mem>>)
    %dma_wait3A_181 = arith.constant 0 : i32
    %dma_wait3A_182 = tpu.memref_slice %arg2[%select_n3A, %add3A_139, %dma_wait3A_181] : memref<16x512x512xi32, #tpu.memory_space<hbm>> -> memref<1x32x512xi32, #tpu.memory_space<hbm>>
    %dma_wait3A_183 = tpu.memref_squeeze %dma_wait3A_182 : memref<1x32x512xi32, #tpu.memory_space<hbm>> -> memref<32x512xi32, #tpu.memory_space<hbm>>
    %dma_wait3A_184 = arith.constant 0 : i32
    %dma_wait3A_185 = tpu.memref_slice %arg2[%select_n3A, %add3A_139, %dma_wait3A_184] : memref<16x512x512xi32, #tpu.memory_space<hbm>> -> memref<1x32x512xi32, #tpu.memory_space<hbm>>
    %dma_wait3A_186 = tpu.memref_squeeze %dma_wait3A_185 : memref<1x32x512xi32, #tpu.memory_space<hbm>> -> memref<32x512xi32, #tpu.memory_space<hbm>>
    tpu.wait_dma2 semaphore(%arg11 : memref<!tpu.dma_semaphore, #tpu.memory_space<semaphore_mem>>) src(%dma_wait3A_186 : memref<32x512xi32, #tpu.memory_space<hbm>>) dst(%arg5 : memref<32x512xi32, #tpu.memory_space<vmem>>)
    %dma_wait3A_187 = arith.constant 0 : i32
    %dma_wait3A_188 = tpu.memref_slice %arg3[%select_n3A, %add3A_139, %dma_wait3A_187] : memref<16x512x512xi32, #tpu.memory_space<hbm>> -> memref<1x32x512xi32, #tpu.memory_space<hbm>>
    %dma_wait3A_189 = tpu.memref_squeeze %dma_wait3A_188 : memref<1x32x512xi32, #tpu.memory_space<hbm>> -> memref<32x512xi32, #tpu.memory_space<hbm>>
    %dma_wait3A_190 = arith.constant 0 : i32
    %dma_wait3A_191 = tpu.memref_slice %arg3[%select_n3A, %add3A_139, %dma_wait3A_190] : memref<16x512x512xi32, #tpu.memory_space<hbm>> -> memref<1x32x512xi32, #tpu.memory_space<hbm>>
    %dma_wait3A_192 = tpu.memref_squeeze %dma_wait3A_191 : memref<1x32x512xi32, #tpu.memory_space<hbm>> -> memref<32x512xi32, #tpu.memory_space<hbm>>
    tpu.wait_dma2 semaphore(%arg11 : memref<!tpu.dma_semaphore, #tpu.memory_space<semaphore_mem>>) src(%dma_wait3A_192 : memref<32x512xi32, #tpu.memory_space<hbm>>) dst(%arg6 : memref<32x512xi32, #tpu.memory_space<vmem>>)
    %parallel_loop3A_193 = arith.constant 0 : i32
    %parallel_loop3A_194 = arith.constant 1024 : i32
    %parallel_loop3A_195 = arith.constant 1 : i32
    scf.for %parallel_loop3A_272 = %parallel_loop3A_193 to %parallel_loop3A_194 step %parallel_loop3A_195  : i32 {
      %parallel_loop3A_273 = arith.constant 32 : i32
      %parallel_loop3A_274 = arith.divsi %parallel_loop3A_272, %parallel_loop3A_273 : i32
      %parallel_loop3A_275 = arith.constant 0 : i32
      %parallel_loop3A_276 = arith.cmpi sgt, %parallel_loop3A_272, %parallel_loop3A_275 : i32
      %parallel_loop3A_277 = arith.extui %parallel_loop3A_276 : i1 to i32
      %parallel_loop3A_278 = arith.constant 0 : i32
      %parallel_loop3A_279 = arith.cmpi slt, %parallel_loop3A_272, %parallel_loop3A_278 : i32
      %parallel_loop3A_280 = arith.extui %parallel_loop3A_279 : i1 to i32
      %parallel_loop3A_281 = arith.subi %parallel_loop3A_277, %parallel_loop3A_280 : i32
      %parallel_loop3A_282 = arith.constant 0 : i32
      %parallel_loop3A_283 = arith.cmpi sgt, %parallel_loop3A_273, %parallel_loop3A_282 : i32
      %parallel_loop3A_284 = arith.extui %parallel_loop3A_283 : i1 to i32
      %parallel_loop3A_285 = arith.constant 0 : i32
      %parallel_loop3A_286 = arith.cmpi slt, %parallel_loop3A_273, %parallel_loop3A_285 : i32
      %parallel_loop3A_287 = arith.extui %parallel_loop3A_286 : i1 to i32
      %parallel_loop3A_288 = arith.subi %parallel_loop3A_284, %parallel_loop3A_287 : i32
      %parallel_loop3A_289 = arith.cmpi ne, %parallel_loop3A_281, %parallel_loop3A_288 : i32
      %parallel_loop3A_290 = arith.remsi %parallel_loop3A_272, %parallel_loop3A_273 : i32
      %parallel_loop3A_291 = arith.constant 0 : i32
      %parallel_loop3A_292 = arith.cmpi ne, %parallel_loop3A_290, %parallel_loop3A_291 : i32
      %parallel_loop3A_293 = arith.andi %parallel_loop3A_289, %parallel_loop3A_292 : i1
      %parallel_loop3A_294 = arith.constant 1 : i32
      %parallel_loop3A_295 = arith.subi %parallel_loop3A_274, %parallel_loop3A_294 : i32
      %parallel_loop3A_296 = arith.select %parallel_loop3A_293, %parallel_loop3A_295, %parallel_loop3A_274 : i32
      %parallel_loop3A_297 = arith.constant 32 : i32
      %parallel_loop3A_298 = arith.constant 0 : i32
      %parallel_loop3A_299 = arith.cmpi eq, %parallel_loop3A_297, %parallel_loop3A_298 : i32
      %parallel_loop3A_300 = arith.constant 1 : i32
      %parallel_loop3A_301 = arith.select %parallel_loop3A_299, %parallel_loop3A_300, %parallel_loop3A_297 : i32
      %parallel_loop3A_302 = arith.remsi %parallel_loop3A_272, %parallel_loop3A_301 : i32
      %parallel_loop3A_303 = arith.constant 0 : i32
      %parallel_loop3A_304 = arith.cmpi ne, %parallel_loop3A_302, %parallel_loop3A_303 : i32
      %parallel_loop3A_305 = arith.constant 0 : i32
      %parallel_loop3A_306 = arith.cmpi slt, %parallel_loop3A_302, %parallel_loop3A_305 : i32
      %parallel_loop3A_307 = arith.constant 0 : i32
      %parallel_loop3A_308 = arith.cmpi slt, %parallel_loop3A_301, %parallel_loop3A_307 : i32
      %parallel_loop3A_309 = arith.xori %parallel_loop3A_306, %parallel_loop3A_308 : i1
      %parallel_loop3A_310 = arith.andi %parallel_loop3A_309, %parallel_loop3A_304 : i1
      %parallel_loop3A_311 = arith.addi %parallel_loop3A_302, %parallel_loop3A_301 : i32
      %parallel_loop3A_312 = arith.select %parallel_loop3A_310, %parallel_loop3A_311, %parallel_loop3A_302 : i32
      %parallel_loop3A_313 = arith.constant 16 : i32
      %parallel_loop3A_314 = arith.muli %parallel_loop3A_312, %parallel_loop3A_313 : i32
      %parallel_loop3A_315 = arith.index_cast %parallel_loop3A_296 : i32 to index
      %parallel_loop3A_316 = arith.index_cast %parallel_loop3A_314 : i32 to index
      %parallel_loop3A_317 = tpu.vector_load %arg5[%parallel_loop3A_315, %parallel_loop3A_316] {strides = array<i32>} : memref<32x512xi32, #tpu.memory_space<vmem>>, vector<16xi32>,
      %parallel_loop3A_318 = arith.index_cast %parallel_loop3A_296 : i32 to index
      %parallel_loop3A_319 = arith.index_cast %parallel_loop3A_314 : i32 to index
      %parallel_loop3A_320 = tpu.vector_load %arg6[%parallel_loop3A_318, %parallel_loop3A_319] {strides = array<i32>} : memref<32x512xi32, #tpu.memory_space<vmem>>, vector<16xi32>,
      %parallel_loop3A_321 = arith.constant 32 : i32
      %parallel_loop3A_322 = vector.broadcast %parallel_loop3A_321 : i32 to vector<16xi32>
      %parallel_loop3A_323 = arith.muli %parallel_loop3A_320, %parallel_loop3A_322 : vector<16xi32>
      %parallel_loop3A_324 = arith.addi %mul3A_64, %parallel_loop3A_323 : vector<16xi32>
      %parallel_loop3A_325 = arith.addi %parallel_loop3A_324, %parallel_loop3A_317 : vector<16xi32>
      tpu.vector_store_idx %arg9[%parallel_loop3A_325], %broadcast_in_dim3A_65 {add = true} : memref<16496xi32, #tpu.memory_space<vmem>>[vector<16xi32>], vector<16xi32>,
    } {sc.loop_unroll_factor = 8 : i64, sc.parallel_access}
    %add3A_196 = arith.constant 192 : i32
    %add3A_197 = arith.addi %mul3A_32, %add3A_196 : i32
    %dma_start3A_198 = arith.constant 0 : i32
    %dma_start3A_199 = tpu.memref_slice %arg2[%select_n3A, %add3A_197, %dma_start3A_198] : memref<16x512x512xi32, #tpu.memory_space<hbm>> -> memref<1x32x512xi32, #tpu.memory_space<hbm>>
    %dma_start3A_200 = tpu.memref_squeeze %dma_start3A_199 : memref<1x32x512xi32, #tpu.memory_space<hbm>> -> memref<32x512xi32, #tpu.memory_space<hbm>>
    %dma_start3A_201 = arith.constant 0 : i32
    %dma_start3A_202 = tpu.memref_slice %arg2[%select_n3A, %add3A_197, %dma_start3A_201] : memref<16x512x512xi32, #tpu.memory_space<hbm>> -> memref<1x32x512xi32, #tpu.memory_space<hbm>>
    %dma_start3A_203 = tpu.memref_squeeze %dma_start3A_202 : memref<1x32x512xi32, #tpu.memory_space<hbm>> -> memref<32x512xi32, #tpu.memory_space<hbm>>
    tpu.enqueue_dma source(%dma_start3A_203 : memref<32x512xi32, #tpu.memory_space<hbm>>) target(%arg5 : memref<32x512xi32, #tpu.memory_space<vmem>>) target_semaphore(%arg11 : memref<!tpu.dma_semaphore, #tpu.memory_space<semaphore_mem>>)
    %dma_start3A_204 = arith.constant 0 : i32
    %dma_start3A_205 = tpu.memref_slice %arg3[%select_n3A, %add3A_197, %dma_start3A_204] : memref<16x512x512xi32, #tpu.memory_space<hbm>> -> memref<1x32x512xi32, #tpu.memory_space<hbm>>
    %dma_start3A_206 = tpu.memref_squeeze %dma_start3A_205 : memref<1x32x512xi32, #tpu.memory_space<hbm>> -> memref<32x512xi32, #tpu.memory_space<hbm>>
    %dma_start3A_207 = arith.constant 0 : i32
    %dma_start3A_208 = tpu.memref_slice %arg3[%select_n3A, %add3A_197, %dma_start3A_207] : memref<16x512x512xi32, #tpu.memory_space<hbm>> -> memref<1x32x512xi32, #tpu.memory_space<hbm>>
    %dma_start3A_209 = tpu.memref_squeeze %dma_start3A_208 : memref<1x32x512xi32, #tpu.memory_space<hbm>> -> memref<32x512xi32, #tpu.memory_space<hbm>>
    tpu.enqueue_dma source(%dma_start3A_209 : memref<32x512xi32, #tpu.memory_space<hbm>>) target(%arg6 : memref<32x512xi32, #tpu.memory_space<vmem>>) target_semaphore(%arg11 : memref<!tpu.dma_semaphore, #tpu.memory_space<semaphore_mem>>)
    %dma_wait3A_210 = arith.constant 0 : i32
    %dma_wait3A_211 = tpu.memref_slice %arg2[%select_n3A, %add3A_168, %dma_wait3A_210] : memref<16x512x512xi32, #tpu.memory_space<hbm>> -> memref<1x32x512xi32, #tpu.memory_space<hbm>>
    %dma_wait3A_212 = tpu.memref_squeeze %dma_wait3A_211 : memref<1x32x512xi32, #tpu.memory_space<hbm>> -> memref<32x512xi32, #tpu.memory_space<hbm>>
    %dma_wait3A_213 = arith.constant 0 : i32
    %dma_wait3A_214 = tpu.memref_slice %arg2[%select_n3A, %add3A_168, %dma_wait3A_213] : memref<16x512x512xi32, #tpu.memory_space<hbm>> -> memref<1x32x512xi32, #tpu.memory_space<hbm>>
    %dma_wait3A_215 = tpu.memref_squeeze %dma_wait3A_214 : memref<1x32x512xi32, #tpu.memory_space<hbm>> -> memref<32x512xi32, #tpu.memory_space<hbm>>
    tpu.wait_dma2 semaphore(%arg12 : memref<!tpu.dma_semaphore, #tpu.memory_space<semaphore_mem>>) src(%dma_wait3A_215 : memref<32x512xi32, #tpu.memory_space<hbm>>) dst(%arg7 : memref<32x512xi32, #tpu.memory_space<vmem>>)
    %dma_wait3A_216 = arith.constant 0 : i32
    %dma_wait3A_217 = tpu.memref_slice %arg3[%select_n3A, %add3A_168, %dma_wait3A_216] : memref<16x512x512xi32, #tpu.memory_space<hbm>> -> memref<1x32x512xi32, #tpu.memory_space<hbm>>
    %dma_wait3A_218 = tpu.memref_squeeze %dma_wait3A_217 : memref<1x32x512xi32, #tpu.memory_space<hbm>> -> memref<32x512xi32, #tpu.memory_space<hbm>>
    %dma_wait3A_219 = arith.constant 0 : i32
    %dma_wait3A_220 = tpu.memref_slice %arg3[%select_n3A, %add3A_168, %dma_wait3A_219] : memref<16x512x512xi32, #tpu.memory_space<hbm>> -> memref<1x32x512xi32, #tpu.memory_space<hbm>>
    %dma_wait3A_221 = tpu.memref_squeeze %dma_wait3A_220 : memref<1x32x512xi32, #tpu.memory_space<hbm>> -> memref<32x512xi32, #tpu.memory_space<hbm>>
    tpu.wait_dma2 semaphore(%arg12 : memref<!tpu.dma_semaphore, #tpu.memory_space<semaphore_mem>>) src(%dma_wait3A_221 : memref<32x512xi32, #tpu.memory_space<hbm>>) dst(%arg8 : memref<32x512xi32, #tpu.memory_space<vmem>>)
    %parallel_loop3A_222 = arith.constant 0 : i32
    %parallel_loop3A_223 = arith.constant 1024 : i32
    %parallel_loop3A_224 = arith.constant 1 : i32
    scf.for %parallel_loop3A_272 = %parallel_loop3A_222 to %parallel_loop3A_223 step %parallel_loop3A_224  : i32 {
      %parallel_loop3A_273 = arith.constant 32 : i32
      %parallel_loop3A_274 = arith.divsi %parallel_loop3A_272, %parallel_loop3A_273 : i32
      %parallel_loop3A_275 = arith.constant 0 : i32
      %parallel_loop3A_276 = arith.cmpi sgt, %parallel_loop3A_272, %parallel_loop3A_275 : i32
      %parallel_loop3A_277 = arith.extui %parallel_loop3A_276 : i1 to i32
      %parallel_loop3A_278 = arith.constant 0 : i32
      %parallel_loop3A_279 = arith.cmpi slt, %parallel_loop3A_272, %parallel_loop3A_278 : i32
      %parallel_loop3A_280 = arith.extui %parallel_loop3A_279 : i1 to i32
      %parallel_loop3A_281 = arith.subi %parallel_loop3A_277, %parallel_loop3A_280 : i32
      %parallel_loop3A_282 = arith.constant 0 : i32
      %parallel_loop3A_283 = arith.cmpi sgt, %parallel_loop3A_273, %parallel_loop3A_282 : i32
      %parallel_loop3A_284 = arith.extui %parallel_loop3A_283 : i1 to i32
      %parallel_loop3A_285 = arith.constant 0 : i32
      %parallel_loop3A_286 = arith.cmpi slt, %parallel_loop3A_273, %parallel_loop3A_285 : i32
      %parallel_loop3A_287 = arith.extui %parallel_loop3A_286 : i1 to i32
      %parallel_loop3A_288 = arith.subi %parallel_loop3A_284, %parallel_loop3A_287 : i32
      %parallel_loop3A_289 = arith.cmpi ne, %parallel_loop3A_281, %parallel_loop3A_288 : i32
      %parallel_loop3A_290 = arith.remsi %parallel_loop3A_272, %parallel_loop3A_273 : i32
      %parallel_loop3A_291 = arith.constant 0 : i32
      %parallel_loop3A_292 = arith.cmpi ne, %parallel_loop3A_290, %parallel_loop3A_291 : i32
      %parallel_loop3A_293 = arith.andi %parallel_loop3A_289, %parallel_loop3A_292 : i1
      %parallel_loop3A_294 = arith.constant 1 : i32
      %parallel_loop3A_295 = arith.subi %parallel_loop3A_274, %parallel_loop3A_294 : i32
      %parallel_loop3A_296 = arith.select %parallel_loop3A_293, %parallel_loop3A_295, %parallel_loop3A_274 : i32
      %parallel_loop3A_297 = arith.constant 32 : i32
      %parallel_loop3A_298 = arith.constant 0 : i32
      %parallel_loop3A_299 = arith.cmpi eq, %parallel_loop3A_297, %parallel_loop3A_298 : i32
      %parallel_loop3A_300 = arith.constant 1 : i32
      %parallel_loop3A_301 = arith.select %parallel_loop3A_299, %parallel_loop3A_300, %parallel_loop3A_297 : i32
      %parallel_loop3A_302 = arith.remsi %parallel_loop3A_272, %parallel_loop3A_301 : i32
      %parallel_loop3A_303 = arith.constant 0 : i32
      %parallel_loop3A_304 = arith.cmpi ne, %parallel_loop3A_302, %parallel_loop3A_303 : i32
      %parallel_loop3A_305 = arith.constant 0 : i32
      %parallel_loop3A_306 = arith.cmpi slt, %parallel_loop3A_302, %parallel_loop3A_305 : i32
      %parallel_loop3A_307 = arith.constant 0 : i32
      %parallel_loop3A_308 = arith.cmpi slt, %parallel_loop3A_301, %parallel_loop3A_307 : i32
      %parallel_loop3A_309 = arith.xori %parallel_loop3A_306, %parallel_loop3A_308 : i1
      %parallel_loop3A_310 = arith.andi %parallel_loop3A_309, %parallel_loop3A_304 : i1
      %parallel_loop3A_311 = arith.addi %parallel_loop3A_302, %parallel_loop3A_301 : i32
      %parallel_loop3A_312 = arith.select %parallel_loop3A_310, %parallel_loop3A_311, %parallel_loop3A_302 : i32
      %parallel_loop3A_313 = arith.constant 16 : i32
      %parallel_loop3A_314 = arith.muli %parallel_loop3A_312, %parallel_loop3A_313 : i32
      %parallel_loop3A_315 = arith.index_cast %parallel_loop3A_296 : i32 to index
      %parallel_loop3A_316 = arith.index_cast %parallel_loop3A_314 : i32 to index
      %parallel_loop3A_317 = tpu.vector_load %arg7[%parallel_loop3A_315, %parallel_loop3A_316] {strides = array<i32>} : memref<32x512xi32, #tpu.memory_space<vmem>>, vector<16xi32>,
      %parallel_loop3A_318 = arith.index_cast %parallel_loop3A_296 : i32 to index
      %parallel_loop3A_319 = arith.index_cast %parallel_loop3A_314 : i32 to index
      %parallel_loop3A_320 = tpu.vector_load %arg8[%parallel_loop3A_318, %parallel_loop3A_319] {strides = array<i32>} : memref<32x512xi32, #tpu.memory_space<vmem>>, vector<16xi32>,
      %parallel_loop3A_321 = arith.constant 32 : i32
      %parallel_loop3A_322 = vector.broadcast %parallel_loop3A_321 : i32 to vector<16xi32>
      %parallel_loop3A_323 = arith.muli %parallel_loop3A_320, %parallel_loop3A_322 : vector<16xi32>
      %parallel_loop3A_324 = arith.addi %mul3A_64, %parallel_loop3A_323 : vector<16xi32>
      %parallel_loop3A_325 = arith.addi %parallel_loop3A_324, %parallel_loop3A_317 : vector<16xi32>
      tpu.vector_store_idx %arg9[%parallel_loop3A_325], %broadcast_in_dim3A_65 {add = true} : memref<16496xi32, #tpu.memory_space<vmem>>[vector<16xi32>], vector<16xi32>,
    } {sc.loop_unroll_factor = 8 : i64, sc.parallel_access}
    %add3A_225 = arith.constant 224 : i32
    %add3A_226 = arith.addi %mul3A_32, %add3A_225 : i32
    %dma_start3A_227 = arith.constant 0 : i32
    %dma_start3A_228 = tpu.memref_slice %arg2[%select_n3A, %add3A_226, %dma_start3A_227] : memref<16x512x512xi32, #tpu.memory_space<hbm>> -> memref<1x32x512xi32, #tpu.memory_space<hbm>>
    %dma_start3A_229 = tpu.memref_squeeze %dma_start3A_228 : memref<1x32x512xi32, #tpu.memory_space<hbm>> -> memref<32x512xi32, #tpu.memory_space<hbm>>
    %dma_start3A_230 = arith.constant 0 : i32
    %dma_start3A_231 = tpu.memref_slice %arg2[%select_n3A, %add3A_226, %dma_start3A_230] : memref<16x512x512xi32, #tpu.memory_space<hbm>> -> memref<1x32x512xi32, #tpu.memory_space<hbm>>
    %dma_start3A_232 = tpu.memref_squeeze %dma_start3A_231 : memref<1x32x512xi32, #tpu.memory_space<hbm>> -> memref<32x512xi32, #tpu.memory_space<hbm>>
    tpu.enqueue_dma source(%dma_start3A_232 : memref<32x512xi32, #tpu.memory_space<hbm>>) target(%arg7 : memref<32x512xi32, #tpu.memory_space<vmem>>) target_semaphore(%arg12 : memref<!tpu.dma_semaphore, #tpu.memory_space<semaphore_mem>>)
    %dma_start3A_233 = arith.constant 0 : i32
    %dma_start3A_234 = tpu.memref_slice %arg3[%select_n3A, %add3A_226, %dma_start3A_233] : memref<16x512x512xi32, #tpu.memory_space<hbm>> -> memref<1x32x512xi32, #tpu.memory_space<hbm>>
    %dma_start3A_235 = tpu.memref_squeeze %dma_start3A_234 : memref<1x32x512xi32, #tpu.memory_space<hbm>> -> memref<32x512xi32, #tpu.memory_space<hbm>>
    %dma_start3A_236 = arith.constant 0 : i32
    %dma_start3A_237 = tpu.memref_slice %arg3[%select_n3A, %add3A_226, %dma_start3A_236] : memref<16x512x512xi32, #tpu.memory_space<hbm>> -> memref<1x32x512xi32, #tpu.memory_space<hbm>>
    %dma_start3A_238 = tpu.memref_squeeze %dma_start3A_237 : memref<1x32x512xi32, #tpu.memory_space<hbm>> -> memref<32x512xi32, #tpu.memory_space<hbm>>
    tpu.enqueue_dma source(%dma_start3A_238 : memref<32x512xi32, #tpu.memory_space<hbm>>) target(%arg8 : memref<32x512xi32, #tpu.memory_space<vmem>>) target_semaphore(%arg12 : memref<!tpu.dma_semaphore, #tpu.memory_space<semaphore_mem>>)
    %dma_wait3A_239 = arith.constant 0 : i32
    %dma_wait3A_240 = tpu.memref_slice %arg2[%select_n3A, %add3A_197, %dma_wait3A_239] : memref<16x512x512xi32, #tpu.memory_space<hbm>> -> memref<1x32x512xi32, #tpu.memory_space<hbm>>
    %dma_wait3A_241 = tpu.memref_squeeze %dma_wait3A_240 : memref<1x32x512xi32, #tpu.memory_space<hbm>> -> memref<32x512xi32, #tpu.memory_space<hbm>>
    %dma_wait3A_242 = arith.constant 0 : i32
    %dma_wait3A_243 = tpu.memref_slice %arg2[%select_n3A, %add3A_197, %dma_wait3A_242] : memref<16x512x512xi32, #tpu.memory_space<hbm>> -> memref<1x32x512xi32, #tpu.memory_space<hbm>>
    %dma_wait3A_244 = tpu.memref_squeeze %dma_wait3A_243 : memref<1x32x512xi32, #tpu.memory_space<hbm>> -> memref<32x512xi32, #tpu.memory_space<hbm>>
    tpu.wait_dma2 semaphore(%arg11 : memref<!tpu.dma_semaphore, #tpu.memory_space<semaphore_mem>>) src(%dma_wait3A_244 : memref<32x512xi32, #tpu.memory_space<hbm>>) dst(%arg5 : memref<32x512xi32, #tpu.memory_space<vmem>>)
    %dma_wait3A_245 = arith.constant 0 : i32
    %dma_wait3A_246 = tpu.memref_slice %arg3[%select_n3A, %add3A_197, %dma_wait3A_245] : memref<16x512x512xi32, #tpu.memory_space<hbm>> -> memref<1x32x512xi32, #tpu.memory_space<hbm>>
    %dma_wait3A_247 = tpu.memref_squeeze %dma_wait3A_246 : memref<1x32x512xi32, #tpu.memory_space<hbm>> -> memref<32x512xi32, #tpu.memory_space<hbm>>
    %dma_wait3A_248 = arith.constant 0 : i32
    %dma_wait3A_249 = tpu.memref_slice %arg3[%select_n3A, %add3A_197, %dma_wait3A_248] : memref<16x512x512xi32, #tpu.memory_space<hbm>> -> memref<1x32x512xi32, #tpu.memory_space<hbm>>
    %dma_wait3A_250 = tpu.memref_squeeze %dma_wait3A_249 : memref<1x32x512xi32, #tpu.memory_space<hbm>> -> memref<32x512xi32, #tpu.memory_space<hbm>>
    tpu.wait_dma2 semaphore(%arg11 : memref<!tpu.dma_semaphore, #tpu.memory_space<semaphore_mem>>) src(%dma_wait3A_250 : memref<32x512xi32, #tpu.memory_space<hbm>>) dst(%arg6 : memref<32x512xi32, #tpu.memory_space<vmem>>)
    %parallel_loop3A_251 = arith.constant 0 : i32
    %parallel_loop3A_252 = arith.constant 1024 : i32
    %parallel_loop3A_253 = arith.constant 1 : i32
    scf.for %parallel_loop3A_272 = %parallel_loop3A_251 to %parallel_loop3A_252 step %parallel_loop3A_253  : i32 {
      %parallel_loop3A_273 = arith.constant 32 : i32
      %parallel_loop3A_274 = arith.divsi %parallel_loop3A_272, %parallel_loop3A_273 : i32
      %parallel_loop3A_275 = arith.constant 0 : i32
      %parallel_loop3A_276 = arith.cmpi sgt, %parallel_loop3A_272, %parallel_loop3A_275 : i32
      %parallel_loop3A_277 = arith.extui %parallel_loop3A_276 : i1 to i32
      %parallel_loop3A_278 = arith.constant 0 : i32
      %parallel_loop3A_279 = arith.cmpi slt, %parallel_loop3A_272, %parallel_loop3A_278 : i32
      %parallel_loop3A_280 = arith.extui %parallel_loop3A_279 : i1 to i32
      %parallel_loop3A_281 = arith.subi %parallel_loop3A_277, %parallel_loop3A_280 : i32
      %parallel_loop3A_282 = arith.constant 0 : i32
      %parallel_loop3A_283 = arith.cmpi sgt, %parallel_loop3A_273, %parallel_loop3A_282 : i32
      %parallel_loop3A_284 = arith.extui %parallel_loop3A_283 : i1 to i32
      %parallel_loop3A_285 = arith.constant 0 : i32
      %parallel_loop3A_286 = arith.cmpi slt, %parallel_loop3A_273, %parallel_loop3A_285 : i32
      %parallel_loop3A_287 = arith.extui %parallel_loop3A_286 : i1 to i32
      %parallel_loop3A_288 = arith.subi %parallel_loop3A_284, %parallel_loop3A_287 : i32
      %parallel_loop3A_289 = arith.cmpi ne, %parallel_loop3A_281, %parallel_loop3A_288 : i32
      %parallel_loop3A_290 = arith.remsi %parallel_loop3A_272, %parallel_loop3A_273 : i32
      %parallel_loop3A_291 = arith.constant 0 : i32
      %parallel_loop3A_292 = arith.cmpi ne, %parallel_loop3A_290, %parallel_loop3A_291 : i32
      %parallel_loop3A_293 = arith.andi %parallel_loop3A_289, %parallel_loop3A_292 : i1
      %parallel_loop3A_294 = arith.constant 1 : i32
      %parallel_loop3A_295 = arith.subi %parallel_loop3A_274, %parallel_loop3A_294 : i32
      %parallel_loop3A_296 = arith.select %parallel_loop3A_293, %parallel_loop3A_295, %parallel_loop3A_274 : i32
      %parallel_loop3A_297 = arith.constant 32 : i32
      %parallel_loop3A_298 = arith.constant 0 : i32
      %parallel_loop3A_299 = arith.cmpi eq, %parallel_loop3A_297, %parallel_loop3A_298 : i32
      %parallel_loop3A_300 = arith.constant 1 : i32
      %parallel_loop3A_301 = arith.select %parallel_loop3A_299, %parallel_loop3A_300, %parallel_loop3A_297 : i32
      %parallel_loop3A_302 = arith.remsi %parallel_loop3A_272, %parallel_loop3A_301 : i32
      %parallel_loop3A_303 = arith.constant 0 : i32
      %parallel_loop3A_304 = arith.cmpi ne, %parallel_loop3A_302, %parallel_loop3A_303 : i32
      %parallel_loop3A_305 = arith.constant 0 : i32
      %parallel_loop3A_306 = arith.cmpi slt, %parallel_loop3A_302, %parallel_loop3A_305 : i32
      %parallel_loop3A_307 = arith.constant 0 : i32
      %parallel_loop3A_308 = arith.cmpi slt, %parallel_loop3A_301, %parallel_loop3A_307 : i32
      %parallel_loop3A_309 = arith.xori %parallel_loop3A_306, %parallel_loop3A_308 : i1
      %parallel_loop3A_310 = arith.andi %parallel_loop3A_309, %parallel_loop3A_304 : i1
      %parallel_loop3A_311 = arith.addi %parallel_loop3A_302, %parallel_loop3A_301 : i32
      %parallel_loop3A_312 = arith.select %parallel_loop3A_310, %parallel_loop3A_311, %parallel_loop3A_302 : i32
      %parallel_loop3A_313 = arith.constant 16 : i32
      %parallel_loop3A_314 = arith.muli %parallel_loop3A_312, %parallel_loop3A_313 : i32
      %parallel_loop3A_315 = arith.index_cast %parallel_loop3A_296 : i32 to index
      %parallel_loop3A_316 = arith.index_cast %parallel_loop3A_314 : i32 to index
      %parallel_loop3A_317 = tpu.vector_load %arg5[%parallel_loop3A_315, %parallel_loop3A_316] {strides = array<i32>} : memref<32x512xi32, #tpu.memory_space<vmem>>, vector<16xi32>,
      %parallel_loop3A_318 = arith.index_cast %parallel_loop3A_296 : i32 to index
      %parallel_loop3A_319 = arith.index_cast %parallel_loop3A_314 : i32 to index
      %parallel_loop3A_320 = tpu.vector_load %arg6[%parallel_loop3A_318, %parallel_loop3A_319] {strides = array<i32>} : memref<32x512xi32, #tpu.memory_space<vmem>>, vector<16xi32>,
      %parallel_loop3A_321 = arith.constant 32 : i32
      %parallel_loop3A_322 = vector.broadcast %parallel_loop3A_321 : i32 to vector<16xi32>
      %parallel_loop3A_323 = arith.muli %parallel_loop3A_320, %parallel_loop3A_322 : vector<16xi32>
      %parallel_loop3A_324 = arith.addi %mul3A_64, %parallel_loop3A_323 : vector<16xi32>
      %parallel_loop3A_325 = arith.addi %parallel_loop3A_324, %parallel_loop3A_317 : vector<16xi32>
      tpu.vector_store_idx %arg9[%parallel_loop3A_325], %broadcast_in_dim3A_65 {add = true} : memref<16496xi32, #tpu.memory_space<vmem>>[vector<16xi32>], vector<16xi32>,
    } {sc.loop_unroll_factor = 8 : i64, sc.parallel_access}
    %dma_wait3A_254 = arith.constant 0 : i32
    %dma_wait3A_255 = tpu.memref_slice %arg2[%select_n3A, %add3A_226, %dma_wait3A_254] : memref<16x512x512xi32, #tpu.memory_space<hbm>> -> memref<1x32x512xi32, #tpu.memory_space<hbm>>
    %dma_wait3A_256 = tpu.memref_squeeze %dma_wait3A_255 : memref<1x32x512xi32, #tpu.memory_space<hbm>> -> memref<32x512xi32, #tpu.memory_space<hbm>>
    %dma_wait3A_257 = arith.constant 0 : i32
    %dma_wait3A_258 = tpu.memref_slice %arg2[%select_n3A, %add3A_226, %dma_wait3A_257] : memref<16x512x512xi32, #tpu.memory_space<hbm>> -> memref<1x32x512xi32, #tpu.memory_space<hbm>>
    %dma_wait3A_259 = tpu.memref_squeeze %dma_wait3A_258 : memref<1x32x512xi32, #tpu.memory_space<hbm>> -> memref<32x512xi32, #tpu.memory_space<hbm>>
    tpu.wait_dma2 semaphore(%arg12 : memref<!tpu.dma_semaphore, #tpu.memory_space<semaphore_mem>>) src(%dma_wait3A_259 : memref<32x512xi32, #tpu.memory_space<hbm>>) dst(%arg7 : memref<32x512xi32, #tpu.memory_space<vmem>>)
    %dma_wait3A_260 = arith.constant 0 : i32
    %dma_wait3A_261 = tpu.memref_slice %arg3[%select_n3A, %add3A_226, %dma_wait3A_260] : memref<16x512x512xi32, #tpu.memory_space<hbm>> -> memref<1x32x512xi32, #tpu.memory_space<hbm>>
    %dma_wait3A_262 = tpu.memref_squeeze %dma_wait3A_261 : memref<1x32x512xi32, #tpu.memory_space<hbm>> -> memref<32x512xi32, #tpu.memory_space<hbm>>
    %dma_wait3A_263 = arith.constant 0 : i32
    %dma_wait3A_264 = tpu.memref_slice %arg3[%select_n3A, %add3A_226, %dma_wait3A_263] : memref<16x512x512xi32, #tpu.memory_space<hbm>> -> memref<1x32x512xi32, #tpu.memory_space<hbm>>
    %dma_wait3A_265 = tpu.memref_squeeze %dma_wait3A_264 : memref<1x32x512xi32, #tpu.memory_space<hbm>> -> memref<32x512xi32, #tpu.memory_space<hbm>>
    tpu.wait_dma2 semaphore(%arg12 : memref<!tpu.dma_semaphore, #tpu.memory_space<semaphore_mem>>) src(%dma_wait3A_265 : memref<32x512xi32, #tpu.memory_space<hbm>>) dst(%arg8 : memref<32x512xi32, #tpu.memory_space<vmem>>)
    %parallel_loop3A_266 = arith.constant 0 : i32
    %parallel_loop3A_267 = arith.constant 1024 : i32
    %parallel_loop3A_268 = arith.constant 1 : i32
    scf.for %parallel_loop3A_272 = %parallel_loop3A_266 to %parallel_loop3A_267 step %parallel_loop3A_268  : i32 {
      %parallel_loop3A_273 = arith.constant 32 : i32
      %parallel_loop3A_274 = arith.divsi %parallel_loop3A_272, %parallel_loop3A_273 : i32
      %parallel_loop3A_275 = arith.constant 0 : i32
      %parallel_loop3A_276 = arith.cmpi sgt, %parallel_loop3A_272, %parallel_loop3A_275 : i32
      %parallel_loop3A_277 = arith.extui %parallel_loop3A_276 : i1 to i32
      %parallel_loop3A_278 = arith.constant 0 : i32
      %parallel_loop3A_279 = arith.cmpi slt, %parallel_loop3A_272, %parallel_loop3A_278 : i32
      %parallel_loop3A_280 = arith.extui %parallel_loop3A_279 : i1 to i32
      %parallel_loop3A_281 = arith.subi %parallel_loop3A_277, %parallel_loop3A_280 : i32
      %parallel_loop3A_282 = arith.constant 0 : i32
      %parallel_loop3A_283 = arith.cmpi sgt, %parallel_loop3A_273, %parallel_loop3A_282 : i32
      %parallel_loop3A_284 = arith.extui %parallel_loop3A_283 : i1 to i32
      %parallel_loop3A_285 = arith.constant 0 : i32
      %parallel_loop3A_286 = arith.cmpi slt, %parallel_loop3A_273, %parallel_loop3A_285 : i32
      %parallel_loop3A_287 = arith.extui %parallel_loop3A_286 : i1 to i32
      %parallel_loop3A_288 = arith.subi %parallel_loop3A_284, %parallel_loop3A_287 : i32
      %parallel_loop3A_289 = arith.cmpi ne, %parallel_loop3A_281, %parallel_loop3A_288 : i32
      %parallel_loop3A_290 = arith.remsi %parallel_loop3A_272, %parallel_loop3A_273 : i32
      %parallel_loop3A_291 = arith.constant 0 : i32
      %parallel_loop3A_292 = arith.cmpi ne, %parallel_loop3A_290, %parallel_loop3A_291 : i32
      %parallel_loop3A_293 = arith.andi %parallel_loop3A_289, %parallel_loop3A_292 : i1
      %parallel_loop3A_294 = arith.constant 1 : i32
      %parallel_loop3A_295 = arith.subi %parallel_loop3A_274, %parallel_loop3A_294 : i32
      %parallel_loop3A_296 = arith.select %parallel_loop3A_293, %parallel_loop3A_295, %parallel_loop3A_274 : i32
      %parallel_loop3A_297 = arith.constant 32 : i32
      %parallel_loop3A_298 = arith.constant 0 : i32
      %parallel_loop3A_299 = arith.cmpi eq, %parallel_loop3A_297, %parallel_loop3A_298 : i32
      %parallel_loop3A_300 = arith.constant 1 : i32
      %parallel_loop3A_301 = arith.select %parallel_loop3A_299, %parallel_loop3A_300, %parallel_loop3A_297 : i32
      %parallel_loop3A_302 = arith.remsi %parallel_loop3A_272, %parallel_loop3A_301 : i32
      %parallel_loop3A_303 = arith.constant 0 : i32
      %parallel_loop3A_304 = arith.cmpi ne, %parallel_loop3A_302, %parallel_loop3A_303 : i32
      %parallel_loop3A_305 = arith.constant 0 : i32
      %parallel_loop3A_306 = arith.cmpi slt, %parallel_loop3A_302, %parallel_loop3A_305 : i32
      %parallel_loop3A_307 = arith.constant 0 : i32
      %parallel_loop3A_308 = arith.cmpi slt, %parallel_loop3A_301, %parallel_loop3A_307 : i32
      %parallel_loop3A_309 = arith.xori %parallel_loop3A_306, %parallel_loop3A_308 : i1
      %parallel_loop3A_310 = arith.andi %parallel_loop3A_309, %parallel_loop3A_304 : i1
      %parallel_loop3A_311 = arith.addi %parallel_loop3A_302, %parallel_loop3A_301 : i32
      %parallel_loop3A_312 = arith.select %parallel_loop3A_310, %parallel_loop3A_311, %parallel_loop3A_302 : i32
      %parallel_loop3A_313 = arith.constant 16 : i32
      %parallel_loop3A_314 = arith.muli %parallel_loop3A_312, %parallel_loop3A_313 : i32
      %parallel_loop3A_315 = arith.index_cast %parallel_loop3A_296 : i32 to index
      %parallel_loop3A_316 = arith.index_cast %parallel_loop3A_314 : i32 to index
      %parallel_loop3A_317 = tpu.vector_load %arg7[%parallel_loop3A_315, %parallel_loop3A_316] {strides = array<i32>} : memref<32x512xi32, #tpu.memory_space<vmem>>, vector<16xi32>,
      %parallel_loop3A_318 = arith.index_cast %parallel_loop3A_296 : i32 to index
      %parallel_loop3A_319 = arith.index_cast %parallel_loop3A_314 : i32 to index
      %parallel_loop3A_320 = tpu.vector_load %arg8[%parallel_loop3A_318, %parallel_loop3A_319] {strides = array<i32>} : memref<32x512xi32, #tpu.memory_space<vmem>>, vector<16xi32>,
      %parallel_loop3A_321 = arith.constant 32 : i32
      %parallel_loop3A_322 = vector.broadcast %parallel_loop3A_321 : i32 to vector<16xi32>
      %parallel_loop3A_323 = arith.muli %parallel_loop3A_320, %parallel_loop3A_322 : vector<16xi32>
      %parallel_loop3A_324 = arith.addi %mul3A_64, %parallel_loop3A_323 : vector<16xi32>
      %parallel_loop3A_325 = arith.addi %parallel_loop3A_324, %parallel_loop3A_317 : vector<16xi32>
      tpu.vector_store_idx %arg9[%parallel_loop3A_325], %broadcast_in_dim3A_65 {add = true} : memref<16496xi32, #tpu.memory_space<vmem>>[vector<16xi32>], vector<16xi32>,
    } {sc.loop_unroll_factor = 8 : i64, sc.parallel_access}
    %parallel_loop3A_269 = arith.constant 0 : i32
    %parallel_loop3A_270 = arith.constant 64 : i32
    %parallel_loop3A_271 = arith.constant 1 : i32
    scf.for %parallel_loop3A_272 = %parallel_loop3A_269 to %parallel_loop3A_270 step %parallel_loop3A_271  : i32 {
      %parallel_loop3A_273 = arith.constant 0 : i32
      %parallel_loop3A_274 = vector.broadcast %parallel_loop3A_273 : i32 to vector<16xi32>
      %parallel_loop3A_275 = arith.constant 16 : i32
      %parallel_loop3A_276 = arith.muli %parallel_loop3A_272, %parallel_loop3A_275 : i32
      %parallel_loop3A_277 = arith.constant 0 : i32
      %parallel_loop3A_278 = arith.addi %parallel_loop3A_277, %parallel_loop3A_276 : i32
      %parallel_loop3A_279 = arith.index_cast %parallel_loop3A_278 : i32 to index
      %parallel_loop3A_280 = tpu.vector_load %arg9[%parallel_loop3A_279] {strides = array<i32>} : memref<16496xi32, #tpu.memory_space<vmem>>, vector<16xi32>,
      %parallel_loop3A_281 = arith.addi %parallel_loop3A_274, %parallel_loop3A_280 : vector<16xi32>
      %parallel_loop3A_282 = arith.constant 16 : i32
      %parallel_loop3A_283 = arith.muli %parallel_loop3A_272, %parallel_loop3A_282 : i32
      %parallel_loop3A_284 = arith.constant 1031 : i32
      %parallel_loop3A_285 = arith.addi %parallel_loop3A_284, %parallel_loop3A_283 : i32
      %parallel_loop3A_286 = arith.index_cast %parallel_loop3A_285 : i32 to index
      %parallel_loop3A_287 = tpu.vector_load %arg9[%parallel_loop3A_286] {strides = array<i32>} : memref<16496xi32, #tpu.memory_space<vmem>>, vector<16xi32>,
      %parallel_loop3A_288 = arith.addi %parallel_loop3A_281, %parallel_loop3A_287 : vector<16xi32>
      %parallel_loop3A_289 = arith.constant 16 : i32
      %parallel_loop3A_290 = arith.muli %parallel_loop3A_272, %parallel_loop3A_289 : i32
      %parallel_loop3A_291 = arith.constant 2062 : i32
      %parallel_loop3A_292 = arith.addi %parallel_loop3A_291, %parallel_loop3A_290 : i32
      %parallel_loop3A_293 = arith.index_cast %parallel_loop3A_292 : i32 to index
      %parallel_loop3A_294 = tpu.vector_load %arg9[%parallel_loop3A_293] {strides = array<i32>} : memref<16496xi32, #tpu.memory_space<vmem>>, vector<16xi32>,
      %parallel_loop3A_295 = arith.addi %parallel_loop3A_288, %parallel_loop3A_294 : vector<16xi32>
      %parallel_loop3A_296 = arith.constant 16 : i32
      %parallel_loop3A_297 = arith.muli %parallel_loop3A_272, %parallel_loop3A_296 : i32
      %parallel_loop3A_298 = arith.constant 3093 : i32
      %parallel_loop3A_299 = arith.addi %parallel_loop3A_298, %parallel_loop3A_297 : i32
      %parallel_loop3A_300 = arith.index_cast %parallel_loop3A_299 : i32 to index
      %parallel_loop3A_301 = tpu.vector_load %arg9[%parallel_loop3A_300] {strides = array<i32>} : memref<16496xi32, #tpu.memory_space<vmem>>, vector<16xi32>,
      %parallel_loop3A_302 = arith.addi %parallel_loop3A_295, %parallel_loop3A_301 : vector<16xi32>
      %parallel_loop3A_303 = arith.constant 16 : i32
      %parallel_loop3A_304 = arith.muli %parallel_loop3A_272, %parallel_loop3A_303 : i32
      %parallel_loop3A_305 = arith.constant 4124 : i32
      %parallel_loop3A_306 = arith.addi %parallel_loop3A_305, %parallel_loop3A_304 : i32
      %parallel_loop3A_307 = arith.index_cast %parallel_loop3A_306 : i32 to index
      %parallel_loop3A_308 = tpu.vector_load %arg9[%parallel_loop3A_307] {strides = array<i32>} : memref<16496xi32, #tpu.memory_space<vmem>>, vector<16xi32>,
      %parallel_loop3A_309 = arith.addi %parallel_loop3A_302, %parallel_loop3A_308 : vector<16xi32>
      %parallel_loop3A_310 = arith.constant 16 : i32
      %parallel_loop3A_311 = arith.muli %parallel_loop3A_272, %parallel_loop3A_310 : i32
      %parallel_loop3A_312 = arith.constant 5155 : i32
      %parallel_loop3A_313 = arith.addi %parallel_loop3A_312, %parallel_loop3A_311 : i32
      %parallel_loop3A_314 = arith.index_cast %parallel_loop3A_313 : i32 to index
      %parallel_loop3A_315 = tpu.vector_load %arg9[%parallel_loop3A_314] {strides = array<i32>} : memref<16496xi32, #tpu.memory_space<vmem>>, vector<16xi32>,
      %parallel_loop3A_316 = arith.addi %parallel_loop3A_309, %parallel_loop3A_315 : vector<16xi32>
      %parallel_loop3A_317 = arith.constant 16 : i32
      %parallel_loop3A_318 = arith.muli %parallel_loop3A_272, %parallel_loop3A_317 : i32
      %parallel_loop3A_319 = arith.constant 6186 : i32
      %parallel_loop3A_320 = arith.addi %parallel_loop3A_319, %parallel_loop3A_318 : i32
      %parallel_loop3A_321 = arith.index_cast %parallel_loop3A_320 : i32 to index
      %parallel_loop3A_322 = tpu.vector_load %arg9[%parallel_loop3A_321] {strides = array<i32>} : memref<16496xi32, #tpu.memory_space<vmem>>, vector<16xi32>,
      %parallel_loop3A_323 = arith.addi %parallel_loop3A_316, %parallel_loop3A_322 : vector<16xi32>
      %parallel_loop3A_324 = arith.constant 16 : i32
      %parallel_loop3A_325 = arith.muli %parallel_loop3A_272, %parallel_loop3A_324 : i32
      %parallel_loop3A_326 = arith.constant 7217 : i32
      %parallel_loop3A_327 = arith.addi %parallel_loop3A_326, %parallel_loop3A_325 : i32
      %parallel_loop3A_328 = arith.index_cast %parallel_loop3A_327 : i32 to index
      %parallel_loop3A_329 = tpu.vector_load %arg9[%parallel_loop3A_328] {strides = array<i32>} : memref<16496xi32, #tpu.memory_space<vmem>>, vector<16xi32>,
      %parallel_loop3A_330 = arith.addi %parallel_loop3A_323, %parallel_loop3A_329 : vector<16xi32>
      %parallel_loop3A_331 = arith.constant 16 : i32
      %parallel_loop3A_332 = arith.muli %parallel_loop3A_272, %parallel_loop3A_331 : i32
      %parallel_loop3A_333 = arith.constant 8248 : i32
      %parallel_loop3A_334 = arith.addi %parallel_loop3A_333, %parallel_loop3A_332 : i32
      %parallel_loop3A_335 = arith.index_cast %parallel_loop3A_334 : i32 to index
      %parallel_loop3A_336 = tpu.vector_load %arg9[%parallel_loop3A_335] {strides = array<i32>} : memref<16496xi32, #tpu.memory_space<vmem>>, vector<16xi32>,
      %parallel_loop3A_337 = arith.addi %parallel_loop3A_330, %parallel_loop3A_336 : vector<16xi32>
      %parallel_loop3A_338 = arith.constant 16 : i32
      %parallel_loop3A_339 = arith.muli %parallel_loop3A_272, %parallel_loop3A_338 : i32
      %parallel_loop3A_340 = arith.constant 9279 : i32
      %parallel_loop3A_341 = arith.addi %parallel_loop3A_340, %parallel_loop3A_339 : i32
      %parallel_loop3A_342 = arith.index_cast %parallel_loop3A_341 : i32 to index
      %parallel_loop3A_343 = tpu.vector_load %arg9[%parallel_loop3A_342] {strides = array<i32>} : memref<16496xi32, #tpu.memory_space<vmem>>, vector<16xi32>,
      %parallel_loop3A_344 = arith.addi %parallel_loop3A_337, %parallel_loop3A_343 : vector<16xi32>
      %parallel_loop3A_345 = arith.constant 16 : i32
      %parallel_loop3A_346 = arith.muli %parallel_loop3A_272, %parallel_loop3A_345 : i32
      %parallel_loop3A_347 = arith.constant 10310 : i32
      %parallel_loop3A_348 = arith.addi %parallel_loop3A_347, %parallel_loop3A_346 : i32
      %parallel_loop3A_349 = arith.index_cast %parallel_loop3A_348 : i32 to index
      %parallel_loop3A_350 = tpu.vector_load %arg9[%parallel_loop3A_349] {strides = array<i32>} : memref<16496xi32, #tpu.memory_space<vmem>>, vector<16xi32>,
      %parallel_loop3A_351 = arith.addi %parallel_loop3A_344, %parallel_loop3A_350 : vector<16xi32>
      %parallel_loop3A_352 = arith.constant 16 : i32
      %parallel_loop3A_353 = arith.muli %parallel_loop3A_272, %parallel_loop3A_352 : i32
      %parallel_loop3A_354 = arith.constant 11341 : i32
      %parallel_loop3A_355 = arith.addi %parallel_loop3A_354, %parallel_loop3A_353 : i32
      %parallel_loop3A_356 = arith.index_cast %parallel_loop3A_355 : i32 to index
      %parallel_loop3A_357 = tpu.vector_load %arg9[%parallel_loop3A_356] {strides = array<i32>} : memref<16496xi32, #tpu.memory_space<vmem>>, vector<16xi32>,
      %parallel_loop3A_358 = arith.addi %parallel_loop3A_351, %parallel_loop3A_357 : vector<16xi32>
      %parallel_loop3A_359 = arith.constant 16 : i32
      %parallel_loop3A_360 = arith.muli %parallel_loop3A_272, %parallel_loop3A_359 : i32
      %parallel_loop3A_361 = arith.constant 12372 : i32
      %parallel_loop3A_362 = arith.addi %parallel_loop3A_361, %parallel_loop3A_360 : i32
      %parallel_loop3A_363 = arith.index_cast %parallel_loop3A_362 : i32 to index
      %parallel_loop3A_364 = tpu.vector_load %arg9[%parallel_loop3A_363] {strides = array<i32>} : memref<16496xi32, #tpu.memory_space<vmem>>, vector<16xi32>,
      %parallel_loop3A_365 = arith.addi %parallel_loop3A_358, %parallel_loop3A_364 : vector<16xi32>
      %parallel_loop3A_366 = arith.constant 16 : i32
      %parallel_loop3A_367 = arith.muli %parallel_loop3A_272, %parallel_loop3A_366 : i32
      %parallel_loop3A_368 = arith.constant 13403 : i32
      %parallel_loop3A_369 = arith.addi %parallel_loop3A_368, %parallel_loop3A_367 : i32
      %parallel_loop3A_370 = arith.index_cast %parallel_loop3A_369 : i32 to index
      %parallel_loop3A_371 = tpu.vector_load %arg9[%parallel_loop3A_370] {strides = array<i32>} : memref<16496xi32, #tpu.memory_space<vmem>>, vector<16xi32>,
      %parallel_loop3A_372 = arith.addi %parallel_loop3A_365, %parallel_loop3A_371 : vector<16xi32>
      %parallel_loop3A_373 = arith.constant 16 : i32
      %parallel_loop3A_374 = arith.muli %parallel_loop3A_272, %parallel_loop3A_373 : i32
      %parallel_loop3A_375 = arith.constant 14434 : i32
      %parallel_loop3A_376 = arith.addi %parallel_loop3A_375, %parallel_loop3A_374 : i32
      %parallel_loop3A_377 = arith.index_cast %parallel_loop3A_376 : i32 to index
      %parallel_loop3A_378 = tpu.vector_load %arg9[%parallel_loop3A_377] {strides = array<i32>} : memref<16496xi32, #tpu.memory_space<vmem>>, vector<16xi32>,
      %parallel_loop3A_379 = arith.addi %parallel_loop3A_372, %parallel_loop3A_378 : vector<16xi32>
      %parallel_loop3A_380 = arith.constant 16 : i32
      %parallel_loop3A_381 = arith.muli %parallel_loop3A_272, %parallel_loop3A_380 : i32
      %parallel_loop3A_382 = arith.constant 15465 : i32
      %parallel_loop3A_383 = arith.addi %parallel_loop3A_382, %parallel_loop3A_381 : i32
      %parallel_loop3A_384 = arith.index_cast %parallel_loop3A_383 : i32 to index
      %parallel_loop3A_385 = tpu.vector_load %arg9[%parallel_loop3A_384] {strides = array<i32>} : memref<16496xi32, #tpu.memory_space<vmem>>, vector<16xi32>,
      %parallel_loop3A_386 = arith.addi %parallel_loop3A_379, %parallel_loop3A_385 : vector<16xi32>
      %parallel_loop3A_387 = arith.sitofp %parallel_loop3A_386 : vector<16xi32> to vector<16xf32>
      %parallel_loop3A_388 = arith.constant 8 : i32
      %parallel_loop3A_389 = arith.divsi %parallel_loop3A_272, %parallel_loop3A_388 : i32
      %parallel_loop3A_390 = arith.constant 0 : i32
      %parallel_loop3A_391 = arith.cmpi sgt, %parallel_loop3A_272, %parallel_loop3A_390 : i32
      %parallel_loop3A_392 = arith.extui %parallel_loop3A_391 : i1 to i32
      %parallel_loop3A_393 = arith.constant 0 : i32
      %parallel_loop3A_394 = arith.cmpi slt, %parallel_loop3A_272, %parallel_loop3A_393 : i32
      %parallel_loop3A_395 = arith.extui %parallel_loop3A_394 : i1 to i32
      %parallel_loop3A_396 = arith.subi %parallel_loop3A_392, %parallel_loop3A_395 : i32
      %parallel_loop3A_397 = arith.constant 0 : i32
      %parallel_loop3A_398 = arith.cmpi sgt, %parallel_loop3A_388, %parallel_loop3A_397 : i32
      %parallel_loop3A_399 = arith.extui %parallel_loop3A_398 : i1 to i32
      %parallel_loop3A_400 = arith.constant 0 : i32
      %parallel_loop3A_401 = arith.cmpi slt, %parallel_loop3A_388, %parallel_loop3A_400 : i32
      %parallel_loop3A_402 = arith.extui %parallel_loop3A_401 : i1 to i32
      %parallel_loop3A_403 = arith.subi %parallel_loop3A_399, %parallel_loop3A_402 : i32
      %parallel_loop3A_404 = arith.cmpi ne, %parallel_loop3A_396, %parallel_loop3A_403 : i32
      %parallel_loop3A_405 = arith.remsi %parallel_loop3A_272, %parallel_loop3A_388 : i32
      %parallel_loop3A_406 = arith.constant 0 : i32
      %parallel_loop3A_407 = arith.cmpi ne, %parallel_loop3A_405, %parallel_loop3A_406 : i32
      %parallel_loop3A_408 = arith.andi %parallel_loop3A_404, %parallel_loop3A_407 : i1
      %parallel_loop3A_409 = arith.constant 1 : i32
      %parallel_loop3A_410 = arith.subi %parallel_loop3A_389, %parallel_loop3A_409 : i32
      %parallel_loop3A_411 = arith.select %parallel_loop3A_408, %parallel_loop3A_410, %parallel_loop3A_389 : i32
      %parallel_loop3A_412 = arith.constant 8 : i32
      %parallel_loop3A_413 = arith.constant 0 : i32
      %parallel_loop3A_414 = arith.cmpi eq, %parallel_loop3A_412, %parallel_loop3A_413 : i32
      %parallel_loop3A_415 = arith.constant 1 : i32
      %parallel_loop3A_416 = arith.select %parallel_loop3A_414, %parallel_loop3A_415, %parallel_loop3A_412 : i32
      %parallel_loop3A_417 = arith.remsi %parallel_loop3A_272, %parallel_loop3A_416 : i32
      %parallel_loop3A_418 = arith.constant 0 : i32
      %parallel_loop3A_419 = arith.cmpi ne, %parallel_loop3A_417, %parallel_loop3A_418 : i32
      %parallel_loop3A_420 = arith.constant 0 : i32
      %parallel_loop3A_421 = arith.cmpi slt, %parallel_loop3A_417, %parallel_loop3A_420 : i32
      %parallel_loop3A_422 = arith.constant 0 : i32
      %parallel_loop3A_423 = arith.cmpi slt, %parallel_loop3A_416, %parallel_loop3A_422 : i32
      %parallel_loop3A_424 = arith.xori %parallel_loop3A_421, %parallel_loop3A_423 : i1
      %parallel_loop3A_425 = arith.andi %parallel_loop3A_424, %parallel_loop3A_419 : i1
      %parallel_loop3A_426 = arith.addi %parallel_loop3A_417, %parallel_loop3A_416 : i32
      %parallel_loop3A_427 = arith.select %parallel_loop3A_425, %parallel_loop3A_426, %parallel_loop3A_417 : i32
      %parallel_loop3A_428 = arith.constant 16 : i32
      %parallel_loop3A_429 = arith.muli %parallel_loop3A_427, %parallel_loop3A_428 : i32
      %parallel_loop3A_430 = arith.index_cast %parallel_loop3A_411 : i32 to index
      %parallel_loop3A_431 = arith.index_cast %parallel_loop3A_429 : i32 to index
      %parallel_loop3A_432 = tpu.vector_load %arg10[%parallel_loop3A_430, %parallel_loop3A_431] {strides = array<i32>} : memref<8x128xf32, #tpu.memory_space<vmem>>, vector<16xf32>,
      tpu.vector_store %arg10[%parallel_loop3A_430, %parallel_loop3A_431], %parallel_loop3A_387 {strides = array<i32>} : memref<8x128xf32, #tpu.memory_space<vmem>>, vector<16xf32>,
    } {sc.loop_unroll_factor = 2 : i64, sc.parallel_access}
    "tpu.region"() ({
      %run_scoped3A = tpu.sem_alloc : memref<!tpu.dma_semaphore, #tpu.memory_space<semaphore_mem>>
      %dma_start3A_272 = arith.constant 0 : i32
      %dma_start3A_273 = arith.constant 0 : i32
      %dma_start3A_274 = tpu.memref_slice %arg4[%add3A, %dma_start3A_272, %dma_start3A_273] : memref<32x8x128xf32, #tpu.memory_space<hbm>> -> memref<1x8x128xf32, #tpu.memory_space<hbm>>
      %dma_start3A_275 = tpu.memref_squeeze %dma_start3A_274 : memref<1x8x128xf32, #tpu.memory_space<hbm>> -> memref<8x128xf32, #tpu.memory_space<hbm>>
      %dma_start3A_276 = arith.constant 0 : i32
      %dma_start3A_277 = arith.constant 0 : i32
      %dma_start3A_278 = tpu.memref_slice %arg4[%add3A, %dma_start3A_276, %dma_start3A_277] : memref<32x8x128xf32, #tpu.memory_space<hbm>> -> memref<1x8x128xf32, #tpu.memory_space<hbm>>
      %dma_start3A_279 = tpu.memref_squeeze %dma_start3A_278 : memref<1x8x128xf32, #tpu.memory_space<hbm>> -> memref<8x128xf32, #tpu.memory_space<hbm>>
      tpu.enqueue_dma source(%arg10 : memref<8x128xf32, #tpu.memory_space<vmem>>) target(%dma_start3A_279 : memref<8x128xf32, #tpu.memory_space<hbm>>) target_semaphore(%run_scoped3A : memref<!tpu.dma_semaphore, #tpu.memory_space<semaphore_mem>>)
      %dma_wait3A_280 = arith.constant 0 : i32
      %dma_wait3A_281 = arith.constant 0 : i32
      %dma_wait3A_282 = tpu.memref_slice %arg4[%add3A, %dma_wait3A_280, %dma_wait3A_281] : memref<32x8x128xf32, #tpu.memory_space<hbm>> -> memref<1x8x128xf32, #tpu.memory_space<hbm>>
      %dma_wait3A_283 = tpu.memref_squeeze %dma_wait3A_282 : memref<1x8x128xf32, #tpu.memory_space<hbm>> -> memref<8x128xf32, #tpu.memory_space<hbm>>
      %dma_wait3A_284 = arith.constant 0 : i32
      %dma_wait3A_285 = arith.constant 0 : i32
      %dma_wait3A_286 = tpu.memref_slice %arg4[%add3A, %dma_wait3A_284, %dma_wait3A_285] : memref<32x8x128xf32, #tpu.memory_space<hbm>> -> memref<1x8x128xf32, #tpu.memory_space<hbm>>
      %dma_wait3A_287 = tpu.memref_squeeze %dma_wait3A_286 : memref<1x8x128xf32, #tpu.memory_space<hbm>> -> memref<8x128xf32, #tpu.memory_space<hbm>>
      tpu.wait_dma2 semaphore(%run_scoped3A : memref<!tpu.dma_semaphore, #tpu.memory_space<semaphore_mem>>) src(%arg10 : memref<8x128xf32, #tpu.memory_space<vmem>>) dst(%dma_wait3A_287 : memref<8x128xf32, #tpu.memory_space<hbm>>)
      tpu.yield
    }) : () -> ()
    return
  }
}

module attributes {stable_mosaic.version = 14 : i64} {
  func.func @_fold(%arg0: memref<32x8x128xf32, #tpu.memory_space<vmem>>, %arg1: memref<19x19xf32, #tpu.memory_space<vmem>>, %arg2: memref<19x19xf32, #tpu.memory_space<vmem>>) attributes {dimension_semantics = [], scalar_prefetch = 0 : i64, scratch_operands = 0 : i64, tpu.core_type = #tpu.core_type<tc>} {
    %get3A = arith.constant 0 : index
    %get3A_0 = arith.constant 0 : index
    %get3A_1 = arith.constant 0 : index
    %get3A_2 = vector.load %arg0[%get3A, %get3A_0, %get3A_1] : memref<32x8x128xf32, #tpu.memory_space<vmem>>, vector<32x8x128xf32>
    %reduce_sum3A = arith.constant dense<0.000000e+00> : vector<8x128xf32>
    %reduce_sum3A_3 = vector.multi_reduction <add>, %get3A_2, %reduce_sum3A [0] : vector<32x8x128xf32> to vector<8x128xf32>
    %slice3A = vector.extract_strided_slice %reduce_sum3A_3 {offsets = [0, 0], sizes = [1, 19], strides = [1, 1]} : vector<8x128xf32> to vector<1x19xf32>
    %slice3A_4 = vector.extract_strided_slice %reduce_sum3A_3 {offsets = [0, 32], sizes = [1, 19], strides = [1, 1]} : vector<8x128xf32> to vector<1x19xf32>
    %slice3A_5 = vector.extract_strided_slice %reduce_sum3A_3 {offsets = [0, 64], sizes = [1, 19], strides = [1, 1]} : vector<8x128xf32> to vector<1x19xf32>
    %slice3A_6 = vector.extract_strided_slice %reduce_sum3A_3 {offsets = [0, 96], sizes = [1, 19], strides = [1, 1]} : vector<8x128xf32> to vector<1x19xf32>
    %slice3A_7 = vector.extract_strided_slice %reduce_sum3A_3 {offsets = [1, 0], sizes = [1, 19], strides = [1, 1]} : vector<8x128xf32> to vector<1x19xf32>
    %slice3A_8 = vector.extract_strided_slice %reduce_sum3A_3 {offsets = [1, 32], sizes = [1, 19], strides = [1, 1]} : vector<8x128xf32> to vector<1x19xf32>
    %slice3A_9 = vector.extract_strided_slice %reduce_sum3A_3 {offsets = [1, 64], sizes = [1, 19], strides = [1, 1]} : vector<8x128xf32> to vector<1x19xf32>
    %slice3A_10 = vector.extract_strided_slice %reduce_sum3A_3 {offsets = [1, 96], sizes = [1, 19], strides = [1, 1]} : vector<8x128xf32> to vector<1x19xf32>
    %slice3A_11 = vector.extract_strided_slice %reduce_sum3A_3 {offsets = [2, 0], sizes = [1, 19], strides = [1, 1]} : vector<8x128xf32> to vector<1x19xf32>
    %slice3A_12 = vector.extract_strided_slice %reduce_sum3A_3 {offsets = [2, 32], sizes = [1, 19], strides = [1, 1]} : vector<8x128xf32> to vector<1x19xf32>
    %slice3A_13 = vector.extract_strided_slice %reduce_sum3A_3 {offsets = [2, 64], sizes = [1, 19], strides = [1, 1]} : vector<8x128xf32> to vector<1x19xf32>
    %slice3A_14 = vector.extract_strided_slice %reduce_sum3A_3 {offsets = [2, 96], sizes = [1, 19], strides = [1, 1]} : vector<8x128xf32> to vector<1x19xf32>
    %slice3A_15 = vector.extract_strided_slice %reduce_sum3A_3 {offsets = [3, 0], sizes = [1, 19], strides = [1, 1]} : vector<8x128xf32> to vector<1x19xf32>
    %slice3A_16 = vector.extract_strided_slice %reduce_sum3A_3 {offsets = [3, 32], sizes = [1, 19], strides = [1, 1]} : vector<8x128xf32> to vector<1x19xf32>
    %slice3A_17 = vector.extract_strided_slice %reduce_sum3A_3 {offsets = [3, 64], sizes = [1, 19], strides = [1, 1]} : vector<8x128xf32> to vector<1x19xf32>
    %slice3A_18 = vector.extract_strided_slice %reduce_sum3A_3 {offsets = [3, 96], sizes = [1, 19], strides = [1, 1]} : vector<8x128xf32> to vector<1x19xf32>
    %slice3A_19 = vector.extract_strided_slice %reduce_sum3A_3 {offsets = [4, 0], sizes = [1, 19], strides = [1, 1]} : vector<8x128xf32> to vector<1x19xf32>
    %slice3A_20 = vector.extract_strided_slice %reduce_sum3A_3 {offsets = [4, 32], sizes = [1, 19], strides = [1, 1]} : vector<8x128xf32> to vector<1x19xf32>
    %slice3A_21 = vector.extract_strided_slice %reduce_sum3A_3 {offsets = [4, 64], sizes = [1, 19], strides = [1, 1]} : vector<8x128xf32> to vector<1x19xf32>
    %concatenate3A = tpu.concatenate %slice3A, %slice3A_4, %slice3A_5, %slice3A_6, %slice3A_7, %slice3A_8, %slice3A_9, %slice3A_10, %slice3A_11, %slice3A_12, %slice3A_13, %slice3A_14, %slice3A_15, %slice3A_16, %slice3A_17, %slice3A_18, %slice3A_19, %slice3A_20, %slice3A_21 in 0 : vector<1x19xf32>, vector<1x19xf32>, vector<1x19xf32>, vector<1x19xf32>, vector<1x19xf32>, vector<1x19xf32>, vector<1x19xf32>, vector<1x19xf32>, vector<1x19xf32>, vector<1x19xf32>, vector<1x19xf32>, vector<1x19xf32>, vector<1x19xf32>, vector<1x19xf32>, vector<1x19xf32>, vector<1x19xf32>, vector<1x19xf32>, vector<1x19xf32>, vector<1x19xf32> -> vector<19x19xf32>
    %get3A_22 = arith.constant 0 : index
    %get3A_23 = arith.constant 0 : index
    %get3A_24 = vector.load %arg1[%get3A_22, %get3A_23] : memref<19x19xf32, #tpu.memory_space<vmem>>, vector<19x19xf32>
    %add3A = arith.addf %concatenate3A, %get3A_24 : vector<19x19xf32>
    %swap3A = arith.constant 0 : index
    %swap3A_25 = arith.constant 0 : index
    %swap3A_26 = vector.load %arg2[%swap3A, %swap3A_25] : memref<19x19xf32, #tpu.memory_space<vmem>>, vector<19x19xf32>
    tpu.vector_store %arg2[%swap3A, %swap3A_25], %add3A {strides = array<i32>} : memref<19x19xf32, #tpu.memory_space<vmem>>, vector<19x19xf32>,
    return
  }
}

</mosaic_0001>

<sc_bundles>
// kernel: kernel.4.cloned.1.call-start
scs
__scs_entry_jumppad:
0x0: {  	(pc) =	sbr.rel $0x88, $3  }
0x1: {  	(tag) =	ssettag $0x0;
	lr =	simm.s32 $0x1  }
0x2: {  	[smem:$0x3F9E] =	sst lr;
	_ =	strace $0xD0000000  }
0x3: {  	_ = 	snop  }
0x4: {  	_ = 	snop  }
0x5: {  	_ = 	snop  }
0x6: {  	_ = 	snop  }
0x7: {  	_ = 	snop  }
__scs_overlays_trampoline_lowered:
0x8: {  	[smem:$0x3FAD] =	sst s0  }
0x9: {  	[smem:$0x3FAE] =	sst s1  }
0xa: {  	[smem:$0x3FAF] =	sst s2  }
0xb: {  	[smem:$0x3FB0] =	sst s3  }
0xc: {  	[smem:$0x3FB1] =	sst s4  }
0xd: {  	[smem:$0x3FB2] =	sst s5  }
0xe: {  	[smem:$0x3FB3] =	sst s6  }
0xf: {  	[smem:$0x3FB4] =	sst s7  }
0x10: {  	[smem:$0x3FB5] =	sst s8  }
0x11: {  	[smem:$0x3FB6] =	sst s9;
	s0 =	simm.s32 @!p0 $0x0  }
0x12: {  	s1 =	sld [smem:$0x3F9C];
	s0 =	simm.s32 @p0 $0x1  }
0x13: {  	[smem:$0x3FB7] =	sst s0;
	s0 =	simm.s32 @!p1 $0x0  }
0x14: {  	s2 =	sld [smem:$0x3F9B];
	s0 =	simm.s32 @p1 $0x1  }
0x15: {  	[smem:$0x3FB8] =	sst s0;
	s0 =	simm.s32 @!p2 $0x0  }
0x16: {  	s3 =	sld [smem:$0x3FDB];
	s0 =	simm.s32 @p2 $0x1  }
0x17: {  	s4 =	simm.s32 $0x1BF5;
	[smem:$0x3FBA] =	sst s0  }
0x18: {  	s0 =	sld [smem:$0x3F9D];
	_ =	swait.ge [sflag:s4], $0x0  }
0x19: {  	s7 =	sld [smem:$0x3F9E]  }
0x1a: {  	s8 =	sadd.s32 $0xFFFFE003, lr  }
0x1b: {  	s9 =	sadd.s32 $0xFFFFFEF7, lr;
	s5 =	simm.s32 $0xFFFFFFFF;
	p2 =	slt.u32 s8, $0xFFFFF086  }
0x1c: {  	p1 =	slt.u32 s9, $0xF7A;
	s5 =	simm.s32 @!p2 $0x0  }
0x1d: {  	s5 =	simm.s32 @p1 $0x1;
	p0 =	seq.s32 s7, s2  }
0x1e: {  	s7 =	smul.u32 @!p0 $0xF7A, s2;
	p2 =	seq.s32 @!p0 s5, $0x0  }
0x1f: {  	s9 =	smul.u32 $0xF7A, s1;
	s8 =	simm.s32 @!p0 $0x1BF5;
	p2 =	por !p2, p0  }
0x20: {  	[sflag:s8] =	ssyncset.s32 @!p0 $0xFFFFF086;
	s6 =	sadd.s32 @!p0 s3, s7;
	s7 =	simm.s32 @!p0 $0x108  }
0x21: {  	s3 =	sadd.s32 s3, s9;
	s6 =	sadd.s32 @!p0 $0x88, s6;
	s7 =	simm.s32 @p2 $0x1082  }
0x22: {  	[simem:s7], [sflag:s8] =	dma.local @!p0 [hbm:s6], $0xF7A  }
0x23: {  	s9 =	sor.u32 $0xD0000000, s2;
	s6 =	simm.s32 $0x108;
	_ =	swait.ge @!p0 [sflag:s8], $0x0  }
0x24: {  	s3 =	sadd.s32 $0x88, s3;
	s6 =	simm.s32 @!p1 $0x1082;
	[sflag:s4] =	ssyncset.s32 $0xFFFFF086  }
0x25: {  	[simem:s6], [sflag:s4] =	dma.local [hbm:s3], $0xF7A  }
0x26: {  	[smem:$0x3F9E] =	sst s1;
	(tag) =	ssettag s2;
	_ =	strace s9  }
0x27: {  	s1 =	sld [smem:$0x3FAE]  }
0x28: {  	s2 =	sld [smem:$0x3FAF]  }
0x29: {  	s4 =	sld [smem:$0x3FB1]  }
0x2a: {  	p0 =	seq.s32 s5, $0x0;
	s5 =	sld [smem:$0x3FB2]  }
0x2b: {  	s6 =	sld [smem:$0x3FB3]  }
0x2c: {  	s7 =	sld [smem:$0x3FB4]  }
0x2d: {  	s3 =	simm.s32 $0x108;
	s8 =	sld [smem:$0x3FB5]  }
0x2e: {  	s3 =	simm.s32 @!p0 $0x1082;
	s9 =	sld [smem:$0x3FB6]  }
0x2f: {  	lr =	sadd.s32 s0, s3;
	s0 =	sld [smem:$0x3FAD]  }
0x30: {  	s3 =	sld [smem:$0x3FB0]  }
0x31: {  	[smem:$0x3FB9] =	sst s10  }
0x32: {  	s10 =	sld [smem:$0x3FB7];
	_ =	sdelay $0x3  }
0x33: {  	p0 =	seq.s32 s10, $0x1;
	s10 =	sld [smem:$0x3FB9];
	_ =	sdelay $0x3  }
0x34: {  	[smem:$0x3FB9] =	sst s10  }
0x35: {  	s10 =	sld [smem:$0x3FB8];
	_ =	sdelay $0x3  }
0x36: {  	p1 =	seq.s32 s10, $0x1;
	s10 =	sld [smem:$0x3FB9];
	_ =	sdelay $0x3  }
0x37: {  	[smem:$0x3FB9] =	sst s10  }
0x38: {  	s10 =	sld [smem:$0x3FBA]  }
0x39: {  	_ = 	snop;
	(pc) =	sbr.ind lr, $3  }
0x3a: {  	_ = 	snop  }
0x3b: {  	_ = 	snop  }
0x3c: {  	p2 =	seq.s32 s10, $0x1;
	s10 =	sld [smem:$0x3FB9]  }
0x3d: {  	_ =	shalt  }
0x3e: {  	_ =	shalt  }
0x3f: {  	_ =	shalt  }
0x40: {  	_ =	shalt  }
0x41: {  	_ =	shalt  }
0x42: {  	_ =	shalt  }
0x43: {  	_ =	shalt  }
0x44: {  	_ =	shalt  }
0x45: {  	_ =	shalt  }
0x46: {  	_ =	shalt  }
0x47: {  	_ =	shalt  }
0x48: {  	_ =	shalt  }
0x49: {  	_ =	shalt  }
0x4a: {  	_ =	shalt  }
0x4b: {  	_ =	shalt  }
0x4c: {  	_ =	shalt  }
0x4d: {  	_ =	shalt  }
0x4e: {  	_ =	shalt  }
0x4f: {  	_ =	shalt  }
0x50: {  	_ =	shalt  }
0x51: {  	_ =	shalt  }
0x52: {  	_ =	shalt  }
0x53: {  	_ =	shalt  }
0x54: {  	_ =	shalt  }
0x55: {  	_ =	shalt  }
0x56: {  	_ =	shalt  }
0x57: {  	_ =	shalt  }
0x58: {  	_ =	shalt  }
0x59: {  	_ =	shalt  }
0x5a: {  	_ =	shalt  }
0x5b: {  	_ =	shalt  }
0x5c: {  	_ =	shalt  }
0x5d: {  	_ =	shalt  }
0x5e: {  	_ =	shalt  }
0x5f: {  	_ =	shalt  }
0x60: {  	_ =	shalt  }
0x61: {  	_ =	shalt  }
0x62: {  	_ =	shalt  }
0x63: {  	_ =	shalt  }
0x64: {  	_ =	shalt  }
0x65: {  	_ =	shalt  }
0x66: {  	_ =	shalt  }
0x67: {  	_ =	shalt  }
0x68: {  	_ =	shalt  }
0x69: {  	_ =	shalt  }
0x6a: {  	_ =	shalt  }
0x6b: {  	_ =	shalt  }
0x6c: {  	_ =	shalt  }
0x6d: {  	_ =	shalt  }
0x6e: {  	_ =	shalt  }
0x6f: {  	_ =	shalt  }
0x70: {  	_ =	shalt  }
0x71: {  	_ =	shalt  }
0x72: {  	_ =	shalt  }
0x73: {  	_ =	shalt  }
0x74: {  	_ =	shalt  }
0x75: {  	_ =	shalt  }
0x76: {  	_ =	shalt  }
0x77: {  	_ =	shalt  }
0x78: {  	_ =	shalt  }
0x79: {  	_ =	shalt  }
0x7a: {  	_ =	shalt  }
0x7b: {  	_ =	shalt  }
0x7c: {  	_ =	shalt  }
0x7d: {  	_ =	shalt  }
0x7e: {  	_ =	shalt  }
0x7f: {  	_ =	shalt  }
0x80: {  	_ =	shalt  }
0x81: {  	_ =	shalt  }
0x82: {  	_ =	shalt  }
0x83: {  	_ =	shalt  }
0x84: {  	_ =	shalt  }
0x85: {  	_ =	shalt  }
0x86: {  	_ =	shalt  }
0x87: {  	_ =	shalt  }
.Lfunc_end0:
.L_simem_size_0:
called_computation_lowered:
.L_overlay_start_0:
0x88: {  	s2 =	sld [smem:$0x3FD9]  }
0x89: {  	s3 =	sld [smem:$0x3FFE];
	_ =	sdelay $0x1  }
0x8a: {  	s1 =	srdreg.scid  }
0x8b: {  	s0 =	sand.u32 $0x1, s1  }
0x8c: {  	s17 =	sshll.u32 s0, $0xA;
	s2 =	sadd.s32 s3, s2  }
0x8d: {  	s2 =	sadd.s32 s2, s17  }
0x8e: {  	[smem:$0x3FC5] =	sst s2  }
0x8f: {  	_ = 	snop  }
0x90: {  	s2 =	sld [smem:$0x3FC9]  }
0x91: {  	s18 =	sld [smem:$0x3FC8];
	(tm) =	ssettm $0x1  }
0x92: {  	s4 =	sld [smem:$0x3FFB];
	_ =	sdelay $0x3  }
0x93: {  	_ =	strace s4  }
0x94: {  	s4 =	sld [smem:$0x3FFC];
	_ =	sdelay $0x3  }
0x95: {  	_ =	strace s4  }
0x96: {  	s4 =	sld [smem:$0x3FFD];
	_ =	sdelay $0x3  }
0x97: {  	_ =	strace s4  }
0x98: {  	_ =	strace $0x8FFFFFFF  }
0x99: {  	s19 =	sld [smem:$0x3FDB];
	_ =	sdelay $0x1  }
0x9a: {  	s5 =	simm.s32 $_scs_section_size  }
0x9b: {  	s6 =	simm.s32 $_size__tile_overlayer_lowered;
	s7 =	simm.s32 $_tile_overlayer_lowered  }
0x9c: {  	s22 =	simm.s32 $0x1BFF;
	s21 =	sshll.u32 s7, $0x1;
	s4 =	sadd.s32 s5, s19  }
0x9d: {  	s8 =	simm.s32 $0x0;
	s20 =	sshll.u32 s6, $0x1;
	s6 =	sadd.s32 s21, s4  }
0x9e: {  	[timem:s8], [sflag:s22] =	dma.local [hbm:s6], s20  }
0x9f: {  	_ =	swait.ge [sflag:s22], s20  }
0xa0: {  	s5 =	ssub.s32 $0x0, s20;
	[sflag:s22] =	ssyncset.done $0x0  }
0xa1: {  	[sflag:s22] =	ssyncadd.s32 s5;
	_ =	sdelay $0x1  }
0xa2: {  	s23 =	simm.s32 $0x1B8B  }
0xa3: {  	_ =	swait.ge [sflag:s23], $0x1  }
0xa4: {  	[sflag:s23] =	ssyncset.done $0x0  }
0xa5: {  	s25 =	simm.s32 $0x1B8E;
	s24 =	sld [smem:$0x3FFE];
	[sflag:s23] =	ssyncadd.s32 $0xFFFFFFFF  }
0xa6: {  	s26 =	simm.s32 $execute0_lowered;
	[smem:$0x3FD2] =	sst s25  }
0xa7: {  	s6 =	sshll.u32 s26, $0x1;
	_ =	strace $0x80000046;
	[dreg:$0x1] =	wrdreg $0xFFFFFFFF  }
0xa8: {  	s28 =	simm.s32 $_size_execute0_lowered;
	s4 =	sadd.s32 s4, s6;
	[dreg:$0x0] =	wrdreg $0x0  }
0xa9: {  	s6 =	sshll.u32 s28, $0x1;
	[dreg:$0x2] =	wrdreg s4  }
0xaa: {  	[dreg:$0x3] =	wrdreg s6  }
0xab: {  	[dreg:$0x4] =	wrdreg $0xC0  }
0xac: {  	_ =	task [dreg:s8], $0x5FFFF  }
0xad: {  	[dreg:$0x1] =	wrdreg $0xFFFFFFFF  }
0xae: {  	[dreg:$0x0] =	wrdreg $0x60  }
0xaf: {  	[dreg:$0x2] =	wrdreg s2  }
0xb0: {  	[dreg:$0x3] =	wrdreg s18  }
0xb1: {  	[dreg:$0x4] =	wrdreg s24  }
0xb2: {  	[dreg:$0x5] =	wrdreg $0x9  }
0xb3: {  	_ =	task.clear_ibuf [dreg:s8], $0x6FFFF;
	_ =	strace $0x90000046  }
0xb4: {  	s29 =	simm.s32 $0x9;
	_ =	strace $0x80000048  }
0xb5: {  	_ =	swait.ge [sflag:s29], $0x1  }
0xb6: {  	[sflag:s29] =	ssyncadd.s32 $0xFFFFFFFF  }
0xb7: {  	_ =	strace $0x90000048  }
0xb8: {  	_ =	sfence  }
0xb9: {  	s30 =	sld [smem:$0x0];
	_ =	sdelay $0x2  }
0xba: {  	s31 =	sshll.u32 s1, $0xD;
	s1 =	sshrl.u32 s1, $0x2  }
0xbb: {  	s3 =	sand.u32 $0x4000, s31;
	s1 =	sadd.s32 s1, s30  }
0xbc: {  	s0 =	sor.u32 s3, s0;
	s1 =	sshll.u32 s1, $0x11  }
0xbd: {  	s0 =	sor.u32 s1, s0  }
0xbe: {  	s0 =	sadd.s32 $0x8F2B, s0  }
0xbf: {  	[sflag:s0] =	ssyncadd.remote.s32 $0x1  }
0xc0: {  	_ =	sfence.sel $0xFFFF  }
0xc1: {  	[dreg:$0x0] =	wrdreg $0xFFFFFFFF;
	(pc) =	sbr.abs _section_cstart, $3  }
0xc2: {  	[dreg:$0x1] =	wrdreg $0xFFFFFFFF  }
0xc3: {  	_ =	task.clear_ibuf [dreg:s8], $0x2FFFF;
	_ =	strace $0x9FFFFFFF  }
0xc4: {  	(tm) =	ssettm $0x7FFFFFFF  }
0xc5: {  	_ =	shalt  }
tec
execute0_lowered:
.L_overlay_start_1:
0x0: {  	(tag) =	ssettag $0x1  }
0x1: {  	s0 =	srdreg.scid;
	s1 =	rddreg [dreg:$0x0]  }
0x2: {  	s7 =	stileid.u32;
	s4 =	rddreg [dreg:$0x1]  }
0x3: {  	s5 =	rddreg [dreg:$0x2];
	s0 =	sand.u32 $0x1, s0;
	s2 =	sshll.u32 s7, $0x1  }
0x4: {  	s6 =	simm.s32 $0x1;
	s29 =	simm.s32 $0x3;
	s3 =	sor.u32 s0, s2  }
0x5: {  	s30 =	simm.s32 $0x0;
	p1 =	seq.s32 s0, $0x1;
	p0 =	seq.s32 s3, $0x0  }
0x6: {  	s2 =	simm.s32 $0x0;
	s22 =	ssub.s32 $0x2, s0;
	p0 =	por !p0, !p1  }
0x7: {  	s0 =	sshll.u32 s0, $0x11;
	[smem:$0x7FF] =	sst s2;
	p0 =	por !p0, !p0  }
0x8: {  	s3 =	sshll.u32 s3, $0x7;
	s23 =	sshrl.u32 s22, $0x1;
	s6 =	simm.s32 @!p0 $0x0  }
0x9: {  	_ =	strace $0x80000047;
	s20 =	sadd.s32 s3, s5;
	s6 =	ssub.s32 s7, s6  }
0xa: {  	s21 =	ssub.s32 s22, s23;
	s3 =	simm.s32 $0x1;
	s6 =	sshll.u32 s6, $0x12  }
0xb: {  	s22 =	simm.s32 $0x4000;
	s23 =	simm.s32 $0x8000;
	s0 =	sor.u32 s0, s6  }
0xc: {  	s20 =	sadd.s32 $0x800, s20;
	s21 =	smax.u32 s21, $0x1;
	s0 =	sshrl.u32 s0, $0x3  }
0xd: {  	s24 =	sadd.s32 s1, s0;
	s25 =	sadd.s32 s4, s0;
	s26 =	sor.u32 $0x800, s0  }
0xe: {  	s9 =	sor.u32 $0x1000, s0;
	s11 =	sor.u32 $0x1800, s0;
	s13 =	sor.u32 $0x2000, s0  }
0xf: {  	s15 =	sor.u32 $0x2800, s0;
	s17 =	sor.u32 $0x3000, s0;
	[dreg:$0x4] =	wrdreg s24  }
0x10: {  	s0 =	sor.u32 $0x3800, s0;
	[dreg:$0x5] =	wrdreg s25;
	s28 =	sadd.s32 s1, s26  }
0x11: {  	s31 =	sadd.s32 s4, s26;
	s8 =	sadd.s32 s1, s9;
	s9 =	sadd.s32 s4, s9  }
0x12: {  	s10 =	sadd.s32 s1, s11;
	s11 =	sadd.s32 s4, s11;
	s12 =	sadd.s32 s1, s13  }
0x13: {  	s13 =	sadd.s32 s4, s13;
	s14 =	sadd.s32 s1, s15;
	s15 =	sadd.s32 s4, s15  }
0x14: {  	v1 =	vlaneseq.u32;
	s16 =	sadd.s32 s1, s17;
	s17 =	sadd.s32 s4, s17;
	s18 =	sadd.s32 s1, s0  }
0x15: {  	v1 =	vmul.u32 $0x407, v1;
	s19 =	sadd.s32 s4, s0;
	s24 =	simm.s32 $0xC000;
	[dreg:$0x6] =	wrdreg s28  }
0x16: {  	v0 =	vimm.s32 $0x0;
	v2 =	vimm.s32 $0x1;
	s25 =	simm.s32 $0x10000;
	s26 =	simm.s32 $0x2;
	[dreg:$0x7] =	wrdreg s31  }
.LBB2_1:
0x17: {  	s0 =	rddreg [dreg:$0x4]  }
0x18: {  	[tilespmem:s2], [sflag:$0x1] =	stream.linear.gather [hbm4b:s0+s2], $0x4000, $0x38;
	[tilespmem:$0x14480] =	vst v63  }
0x19: {  	s7 =	rddreg [dreg:$0x5]  }
0x1a: {  	[tilespmem:s22], [sflag:$0x1] =	stream.linear.gather [hbm4b:s7+s2], $0x4000, $0x38;
	[tilespmem:$0x14480] =	vst v63  }
0x1b: {  	s28 =	rddreg [dreg:$0x6]  }
0x1c: {  	[tilespmem:s23], [sflag:$0x2] =	stream.linear.gather [hbm4b:s28+s2], $0x4000, $0x38;
	[tilespmem:$0x14480] =	vst v63  }
0x1d: {  	s31 =	rddreg [dreg:$0x7];
	s0 =	simm.s32 $0x10040  }
0x1e: {  	[tilespmem:s24], [sflag:$0x2] =	stream.linear.gather [hbm4b:s31+s2], $0x4000, $0x38;
	[tilespmem:$0x14480] =	vst v63  }
0x1f: {  	[tilespmem:s0+$0xFFFFFFC0] =	vst v0  }
0x20: {  	[tilespmem:s0+$0x30] =	vst v0  }
0x21: {  	[tilespmem:s0+$0x20] =	vst v0  }
0x22: {  	[tilespmem:s0+$0x10] =	vst v0  }
0x23: {  	[tilespmem:s0+$0x0] =	vst v0  }
0x24: {  	[tilespmem:s0+$0xFFFFFFF0] =	vst v0  }
0x25: {  	s1 =	simm.s32 $0x0;
	[tilespmem:s0+$0xFFFFFFE0] =	vst v0  }
.LBB2_2:
0x26: {  	s1 =	sadd.s32 $0x8, s1;
	[tilespmem:s0+$0xFFFFFFD0] =	vst v0;
	s0 =	sadd.s32 $0x80, s0  }
0x27: {  	[tilespmem:s0+$0xFFFFFFC0] =	vst v0;
	p0 =	slt.u32 s1, $0x3F8  }
0x28: {  	[tilespmem:s0+$0x30] =	vst v0  }
.Ltmp0:
0x29: {  	[tilespmem:s0+$0x20] =	vst v0;
	(pc) =	sbr.rel @p0 .LBB2_2-.Ltmp0, $4  }
0x2a: {  	[tilespmem:s0+$0x10] =	vst v0  }
0x2b: {  	[tilespmem:s0+$0x0] =	vst v0  }
0x2c: {  	[tilespmem:s0+$0xFFFFFFF0] =	vst v0  }
0x2d: {  	[tilespmem:s0+$0xFFFFFFE0] =	vst v0  }
0x2e: {  	[tilespmem:s0+$0xFFFFFFD0] =	vst v0;
	s0 =	simm.s32 $0x0  }
.LBB2_4:
0x2f: {  	p0 =	sne.s32 s0, $0x180  }
.Ltmp1:
0x30: {  	_ = 	snop;
	(pc) =	sbr.rel @p0 .LBB2_4-.Ltmp1, $3  }
0x31: {  	_ =	sdelay $0x1  }
0x32: {  	s1 =	sshra.s32 s0, $0x2  }
0x33: {  	s0 =	sadd.s32 $0x40, s0;
	[tilespmem:s1+$0x14000] =	vst v0  }
0x34: {  	_ =	swait.ge [sflag:s3], $0x4000  }
0x35: {  	s0 =	simm.s32 $0x0;
	[sflag:s3] =	ssyncset.done $0x0  }
0x36: {  	s1 =	simm.s32 $0x0;
	s4 =	simm.s32 $0x0;
	[sflag:s3] =	ssyncadd.s32 $0xFFFFC000  }
0x37: {  	s1 =	sand.u32 $0x3000, s1;
	s0 =	sand.u32 $0xC00, s0;
	_ =	swait.ge [sflag:s3], $0x4000  }
0x38: {  	s5 =	sand.u32 $0x380, s4;
	s0 =	sor.u32 s0, s1;
	[sflag:s3] =	ssyncset.done $0x0  }
0x39: {  	s0 =	sor.u32 s5, s0;
	[sflag:s3] =	ssyncadd.s32 $0xFFFFC000  }
0x3a: {  	v3 =	vld [tilespmem:s0+$0x4070]  }
0x3b: {  	v4 =	vld [tilespmem:s0+$0x70]  }
0x3c: {  	v5 =	vld [tilespmem:s0+$0x4000]  }
0x3d: {  	v6 =	vld [tilespmem:s0+$0x4010]  }
0x3e: {  	v7 =	vld [tilespmem:s0+$0x4020]  }
0x3f: {  	v8 =	vld [tilespmem:s0+$0x4030]  }
0x40: {  	v9 =	vld [tilespmem:s0+$0x4040]  }
0x41: {  	s6 =	simm.s32 $0x80;
	s1 =	simm.s32 $0x400;
	v10 =	vld [tilespmem:s0+$0x0]  }
0x42: {  	s31 =	simm.s32 $0x20;
	s4 =	sand.u32 $0x3000, s6;
	s28 =	sand.u32 $0xC00, s1;
	v11 =	vld [tilespmem:s0+$0x10]  }
0x43: {  	s7 =	sand.u32 $0x380, s31;
	s4 =	sor.u32 s28, s4;
	v12 =	vld [tilespmem:s0+$0x20]  }
0x44: {  	s31 =	sor.u32 s7, s4;
	v13 =	vld [tilespmem:s0+$0x4060]  }
0x45: {  	v14 =	vld [tilespmem:s31+$0x4070]  }
0x46: {  	v15 =	vld [tilespmem:s31+$0x70]  }
0x47: {  	v16 =	vld [tilespmem:s31+$0x4040];
	v3 =	vshll.u32 v3, $0x5  }
0x48: {  	v17 =	vld [tilespmem:s31+$0x4050];
	v3 =	vadd.s32 v3, v4  }
0x49: {  	v18 =	vld [tilespmem:s31+$0x0];
	v5 =	vshll.u32 v5, $0x5;
	v3 =	vadd.s32 v1, v3  }
0x4a: {  	v19 =	vld [tilespmem:s31+$0x4060];
	v7 =	vshll.u32 v7, $0x5;
	v5 =	vadd.s32 v5, v10  }
0x4b: {  	v4 =	vld [tilespmem:s0+$0x4050];
	v7 =	vadd.s32 v7, v12;
	v5 =	vadd.s32 v1, v5  }
0x4c: {  	v10 =	vld [tilespmem:s0+$0x40];
	v7 =	vadd.s32 v1, v7  }
0x4d: {  	v12 =	vld [tilespmem:s0+$0x60]  }
0x4e: {  	[tilespmem:v3+s25+$0x0] =	vst.idx.add.s32.msk $0xffff, v2;
	v3 =	vshll.u32 v6, $0x5  }
0x4f: {  	v6 =	vld [tilespmem:s0+$0x30];
	v3 =	vadd.s32 v3, v11  }
0x50: {  	[tilespmem:v5+s25+$0x0] =	vst.idx.add.s32.msk $0xffff, v2;
	v5 =	vshll.u32 v14, $0x5;
	v3 =	vadd.s32 v1, v3  }
0x51: {  	[tilespmem:v7+s25+$0x0] =	vst.idx.add.s32.msk $0xffff, v2;
	v5 =	vadd.s32 v5, v15  }
0x52: {  	v7 =	vld [tilespmem:s31+$0x4010];
	v5 =	vadd.s32 v1, v5  }
0x53: {  	v14 =	vld [tilespmem:s31+$0x4020]  }
0x54: {  	v11 =	vld [tilespmem:s0+$0x50]  }
0x55: {  	[tilespmem:v3+s25+$0x0] =	vst.idx.add.s32.msk $0xffff, v2  }
0x56: {  	v3 =	vld [tilespmem:s31+$0x4000]  }
0x57: {  	[tilespmem:v5+s25+$0x0] =	vst.idx.add.s32.msk $0xffff, v2  }
0x58: {  	v4 =	vshll.u32 v4, $0x5;
	v5 =	vshll.u32 v8, $0x5;
	v8 =	vshll.u32 v9, $0x5;
	v9 =	vld [tilespmem:s31+$0x10]  }
0x59: {  	v7 =	vshll.u32 v7, $0x5;
	v5 =	vadd.s32 v5, v6;
	v6 =	vadd.s32 v8, v10;
	v10 =	vld [tilespmem:s31+$0x20]  }
0x5a: {  	v15 =	vld [tilespmem:s31+$0x4030];
	v4 =	vadd.s32 v4, v11;
	v8 =	vshll.u32 v13, $0x5;
	v5 =	vadd.s32 v1, v5  }
0x5b: {  	v21 =	vld [tilespmem:s31+$0x30];
	v20 =	vadd.s32 v1, v6;
	v6 =	vadd.s32 v8, v12;
	v3 =	vshll.u32 v3, $0x5  }
0x5c: {  	v4 =	vadd.s32 v1, v4;
	v12 =	vld [tilespmem:s31+$0x40];
	v11 =	vadd.s32 v3, v18;
	v3 =	vadd.s32 v1, v6  }
0x5d: {  	v6 =	vshll.u32 v14, $0x5;
	v14 =	vadd.s32 v7, v9;
	v9 =	vld [tilespmem:s31+$0x50];
	v13 =	vadd.s32 v1, v11  }
0x5e: {  	v7 =	vld [tilespmem:s31+$0x60];
	v10 =	vadd.s32 v6, v10;
	v11 =	vadd.s32 v1, v14  }
0x5f: {  	v15 =	vshll.u32 v15, $0x5;
	v8 =	vshll.u32 v16, $0x5;
	[tilespmem:v5+s25+$0x0] =	vst.idx.add.s32.msk $0xffff, v2;
	v10 =	vadd.s32 v1, v10  }
0x60: {  	s0 =	simm.s32 $0x8;
	v6 =	vshll.u32 v17, $0x5;
	v5 =	vshll.u32 v19, $0x5;
	v14 =	vadd.s32 v15, v21;
	[tilespmem:v20+s25+$0x0] =	vst.idx.add.s32.msk $0xffff, v2  }
.LBB2_6:
0x61: {  	s0 =	sadd.s32 $0x8, s0;
	v14 =	vadd.s32 v1, v14;
	v8 =	vadd.s32 v8, v12;
	[tilespmem:v4+s25+$0x0] =	vst.idx.add.s32.msk $0xffff, v2  }
0x62: {  	s1 =	sadd.s32 $0x400, s1;
	s4 =	sshll.u32 s0, $0x4;
	p0 =	slt.u32 s0, $0x3F8;
	[tilespmem:v13+s25+$0x0] =	vst.idx.add.s32.msk $0xffff, v2;
	v15 =	vadd.s32 v1, v8;
	v4 =	vadd.s32 v6, v9  }
0x63: {  	s28 =	sand.u32 $0xC00, s1;
	s31 =	sshll.u32 s0, $0x2;
	s4 =	sand.u32 $0x3000, s4;
	[tilespmem:v11+s25+$0x0] =	vst.idx.add.s32.msk $0xffff, v2;
	v4 =	vadd.s32 v1, v4;
	v5 =	vadd.s32 v5, v7  }
0x64: {  	s4 =	sor.u32 s28, s4;
	s28 =	sand.u32 $0x380, s31;
	[tilespmem:v10+s25+$0x0] =	vst.idx.add.s32.msk $0xffff, v2;
	v5 =	vadd.s32 v1, v5  }
0x65: {  	s4 =	sor.u32 s28, s4;
	[tilespmem:v3+s25+$0x0] =	vst.idx.add.s32.msk $0xffff, v2;
	v3 =	vmov v5  }
0x66: {  	v5 =	vld [tilespmem:s4+$0x4070]  }
0x67: {  	v6 =	vld [tilespmem:s4+$0x70]  }
0x68: {  	v7 =	vld [tilespmem:s4+$0x4000]  }
0x69: {  	v8 =	vld [tilespmem:s4+$0x4010]  }
0x6a: {  	v9 =	vld [tilespmem:s4+$0x4020]  }
0x6b: {  	v10 =	vld [tilespmem:s4+$0x4030];
	v5 =	vshll.u32 v5, $0x5  }
0x6c: {  	v11 =	vld [tilespmem:s4+$0x4040];
	v5 =	vadd.s32 v5, v6  }
0x6d: {  	v7 =	vshll.u32 v7, $0x5;
	v6 =	vld [tilespmem:s4+$0x4050];
	v5 =	vadd.s32 v1, v5  }
0x6e: {  	v16 =	vshll.u32 v8, $0x5;
	v12 =	vld [tilespmem:s4+$0x4060]  }
0x6f: {  	v13 =	vld [tilespmem:s4+$0x0];
	v17 =	vshll.u32 v9, $0x5  }
0x70: {  	v9 =	vld [tilespmem:s4+$0x10];
	v18 =	vshll.u32 v10, $0x5  }
0x71: {  	v10 =	vld [tilespmem:s4+$0x20];
	v8 =	vshll.u32 v11, $0x5  }
0x72: {  	v6 =	vshll.u32 v6, $0x5;
	[tilespmem:v5+s25+$0x0] =	vst.idx.add.s32.msk $0xffff, v2  }
0x73: {  	v19 =	vld [tilespmem:s4+$0x30];
	v5 =	vshll.u32 v12, $0x5  }
.Ltmp2:
0x74: {  	v7 =	vadd.s32 v7, v13;
	v12 =	vld [tilespmem:s4+$0x40];
	(pc) =	sbr.rel @p0 .LBB2_6-.Ltmp2, $4  }
0x75: {  	v13 =	vadd.s32 v1, v7;
	v7 =	vadd.s32 v16, v9;
	v9 =	vld [tilespmem:s4+$0x50]  }
0x76: {  	v11 =	vadd.s32 v1, v7;
	v10 =	vadd.s32 v17, v10;
	v7 =	vld [tilespmem:s4+$0x60]  }
0x77: {  	v10 =	vadd.s32 v1, v10;
	[tilespmem:v14+s25+$0x0] =	vst.idx.add.s32.msk $0xffff, v2  }
0x78: {  	v14 =	vadd.s32 v18, v19;
	[tilespmem:v15+s25+$0x0] =	vst.idx.add.s32.msk $0xffff, v2  }
0x79: {  	_ =	sdelay $0x3  }
0x7a: {  	v14 =	vadd.s32 v1, v14;
	v8 =	vadd.s32 v8, v12;
	[tilespmem:v4+s25+$0x0] =	vst.idx.add.s32.msk $0xffff, v2  }
0x7b: {  	[tilespmem:v13+s25+$0x0] =	vst.idx.add.s32.msk $0xffff, v2;
	v4 =	vadd.s32 v1, v8;
	v6 =	vadd.s32 v6, v9  }
0x7c: {  	[tilespmem:v11+s25+$0x0] =	vst.idx.add.s32.msk $0xffff, v2;
	v6 =	vadd.s32 v1, v6;
	v5 =	vadd.s32 v5, v7  }
0x7d: {  	[tilespmem:v10+s25+$0x0] =	vst.idx.add.s32.msk $0xffff, v2;
	v5 =	vadd.s32 v1, v5  }
0x7e: {  	[tilespmem:v3+s25+$0x0] =	vst.idx.add.s32.msk $0xffff, v2  }
0x7f: {  	[tilespmem:v14+s25+$0x0] =	vst.idx.add.s32.msk $0xffff, v2  }
0x80: {  	[tilespmem:v4+s25+$0x0] =	vst.idx.add.s32.msk $0xffff, v2  }
0x81: {  	[tilespmem:v6+s25+$0x0] =	vst.idx.add.s32.msk $0xffff, v2  }
0x82: {  	s0 =	simm.s32 $0x0;
	[tilespmem:v5+s25+$0x0] =	vst.idx.add.s32.msk $0xffff, v2  }
0x83: {  	[tilespmem:s0], [sflag:$0x1] =	stream.linear.gather [hbm4b:s8+s0], $0x4000, $0x38;
	[tilespmem:$0x14480] =	vst v63  }
0x84: {  	_ = 	snop  }
0x85: {  	[tilespmem:s22], [sflag:$0x1] =	stream.linear.gather [hbm4b:s9+s0], $0x4000, $0x38;
	[tilespmem:$0x14480] =	vst v63  }
0x86: {  	_ =	swait.ge [sflag:s26], $0x4000  }
0x87: {  	[sflag:s26] =	ssyncset.done $0x0  }
0x88: {  	s1 =	simm.s32 $0x0;
	s4 =	simm.s32 $0x0;
	[sflag:s26] =	ssyncadd.s32 $0xFFFFC000  }
0x89: {  	s1 =	sand.u32 $0x3000, s1;
	s0 =	sand.u32 $0xC00, s0;
	_ =	swait.ge [sflag:s26], $0x4000  }
0x8a: {  	s5 =	sand.u32 $0x380, s4;
	s0 =	sor.u32 s0, s1;
	[sflag:s26] =	ssyncset.done $0x0  }
0x8b: {  	s0 =	sor.u32 s5, s0;
	[sflag:s26] =	ssyncadd.s32 $0xFFFFC000  }
0x8c: {  	v3 =	vld [tilespmem:s0+$0xC070]  }
0x8d: {  	v4 =	vld [tilespmem:s0+$0x8070]  }
0x8e: {  	v5 =	vld [tilespmem:s0+$0xC000]  }
0x8f: {  	v6 =	vld [tilespmem:s0+$0xC010]  }
0x90: {  	v7 =	vld [tilespmem:s0+$0xC020]  }
0x91: {  	v8 =	vld [tilespmem:s0+$0xC030]  }
0x92: {  	v9 =	vld [tilespmem:s0+$0xC040]  }
0x93: {  	s6 =	simm.s32 $0x80;
	s1 =	simm.s32 $0x400;
	v10 =	vld [tilespmem:s0+$0x8000]  }
0x94: {  	s31 =	simm.s32 $0x20;
	s4 =	sand.u32 $0x3000, s6;
	s28 =	sand.u32 $0xC00, s1;
	v11 =	vld [tilespmem:s0+$0x8010]  }
0x95: {  	s7 =	sand.u32 $0x380, s31;
	s4 =	sor.u32 s28, s4;
	v12 =	vld [tilespmem:s0+$0x8020]  }
0x96: {  	s31 =	sor.u32 s7, s4;
	v13 =	vld [tilespmem:s0+$0xC060]  }
0x97: {  	v14 =	vld [tilespmem:s31+$0xC070]  }
0x98: {  	v15 =	vld [tilespmem:s31+$0x8070]  }
0x99: {  	v16 =	vld [tilespmem:s31+$0xC040];
	v3 =	vshll.u32 v3, $0x5  }
0x9a: {  	v17 =	vld [tilespmem:s31+$0xC050];
	v3 =	vadd.s32 v3, v4  }
0x9b: {  	v18 =	vld [tilespmem:s31+$0x8000];
	v5 =	vshll.u32 v5, $0x5;
	v3 =	vadd.s32 v1, v3  }
0x9c: {  	v19 =	vld [tilespmem:s31+$0xC060];
	v7 =	vshll.u32 v7, $0x5;
	v5 =	vadd.s32 v5, v10  }
0x9d: {  	v4 =	vld [tilespmem:s0+$0xC050];
	v7 =	vadd.s32 v7, v12;
	v5 =	vadd.s32 v1, v5  }
0x9e: {  	v10 =	vld [tilespmem:s0+$0x8040];
	v7 =	vadd.s32 v1, v7  }
0x9f: {  	v12 =	vld [tilespmem:s0+$0x8060]  }
0xa0: {  	[tilespmem:v3+s25+$0x0] =	vst.idx.add.s32.msk $0xffff, v2;
	v3 =	vshll.u32 v6, $0x5  }
0xa1: {  	v6 =	vld [tilespmem:s0+$0x8030];
	v3 =	vadd.s32 v3, v11  }
0xa2: {  	[tilespmem:v5+s25+$0x0] =	vst.idx.add.s32.msk $0xffff, v2;
	v5 =	vshll.u32 v14, $0x5;
	v3 =	vadd.s32 v1, v3  }
0xa3: {  	[tilespmem:v7+s25+$0x0] =	vst.idx.add.s32.msk $0xffff, v2;
	v5 =	vadd.s32 v5, v15  }
0xa4: {  	v7 =	vld [tilespmem:s31+$0xC010];
	v5 =	vadd.s32 v1, v5  }
0xa5: {  	v14 =	vld [tilespmem:s31+$0xC020]  }
0xa6: {  	v11 =	vld [tilespmem:s0+$0x8050]  }
0xa7: {  	[tilespmem:v3+s25+$0x0] =	vst.idx.add.s32.msk $0xffff, v2  }
0xa8: {  	v3 =	vld [tilespmem:s31+$0xC000]  }
0xa9: {  	[tilespmem:v5+s25+$0x0] =	vst.idx.add.s32.msk $0xffff, v2  }
0xaa: {  	v4 =	vshll.u32 v4, $0x5;
	v5 =	vshll.u32 v8, $0x5;
	v8 =	vshll.u32 v9, $0x5;
	v9 =	vld [tilespmem:s31+$0x8010]  }
0xab: {  	v7 =	vshll.u32 v7, $0x5;
	v5 =	vadd.s32 v5, v6;
	v6 =	vadd.s32 v8, v10;
	v10 =	vld [tilespmem:s31+$0x8020]  }
0xac: {  	v15 =	vld [tilespmem:s31+$0xC030];
	v4 =	vadd.s32 v4, v11;
	v8 =	vshll.u32 v13, $0x5;
	v5 =	vadd.s32 v1, v5  }
0xad: {  	v21 =	vld [tilespmem:s31+$0x8030];
	v20 =	vadd.s32 v1, v6;
	v6 =	vadd.s32 v8, v12;
	v3 =	vshll.u32 v3, $0x5  }
0xae: {  	v4 =	vadd.s32 v1, v4;
	v12 =	vld [tilespmem:s31+$0x8040];
	v11 =	vadd.s32 v3, v18;
	v3 =	vadd.s32 v1, v6  }
0xaf: {  	v6 =	vshll.u32 v14, $0x5;
	v14 =	vadd.s32 v7, v9;
	v9 =	vld [tilespmem:s31+$0x8050];
	v13 =	vadd.s32 v1, v11  }
0xb0: {  	v7 =	vld [tilespmem:s31+$0x8060];
	v10 =	vadd.s32 v6, v10;
	v11 =	vadd.s32 v1, v14  }
0xb1: {  	v15 =	vshll.u32 v15, $0x5;
	v8 =	vshll.u32 v16, $0x5;
	[tilespmem:v5+s25+$0x0] =	vst.idx.add.s32.msk $0xffff, v2;
	v10 =	vadd.s32 v1, v10  }
0xb2: {  	s0 =	simm.s32 $0x8;
	v6 =	vshll.u32 v17, $0x5;
	v5 =	vshll.u32 v19, $0x5;
	v14 =	vadd.s32 v15, v21;
	[tilespmem:v20+s25+$0x0] =	vst.idx.add.s32.msk $0xffff, v2  }
.LBB2_8:
0xb3: {  	s0 =	sadd.s32 $0x8, s0;
	v14 =	vadd.s32 v1, v14;
	v8 =	vadd.s32 v8, v12;
	[tilespmem:v4+s25+$0x0] =	vst.idx.add.s32.msk $0xffff, v2  }
0xb4: {  	s1 =	sadd.s32 $0x400, s1;
	s4 =	sshll.u32 s0, $0x4;
	p0 =	slt.u32 s0, $0x3F8;
	[tilespmem:v13+s25+$0x0] =	vst.idx.add.s32.msk $0xffff, v2;
	v15 =	vadd.s32 v1, v8;
	v4 =	vadd.s32 v6, v9  }
0xb5: {  	s28 =	sand.u32 $0xC00, s1;
	s31 =	sshll.u32 s0, $0x2;
	s4 =	sand.u32 $0x3000, s4;
	[tilespmem:v11+s25+$0x0] =	vst.idx.add.s32.msk $0xffff, v2;
	v4 =	vadd.s32 v1, v4;
	v5 =	vadd.s32 v5, v7  }
0xb6: {  	s4 =	sor.u32 s28, s4;
	s28 =	sand.u32 $0x380, s31;
	[tilespmem:v10+s25+$0x0] =	vst.idx.add.s32.msk $0xffff, v2;
	v5 =	vadd.s32 v1, v5  }
0xb7: {  	s4 =	sor.u32 s28, s4;
	[tilespmem:v3+s25+$0x0] =	vst.idx.add.s32.msk $0xffff, v2;
	v3 =	vmov v5  }
0xb8: {  	v5 =	vld [tilespmem:s4+$0xC070]  }
0xb9: {  	v6 =	vld [tilespmem:s4+$0x8070]  }
0xba: {  	v7 =	vld [tilespmem:s4+$0xC000]  }
0xbb: {  	v8 =	vld [tilespmem:s4+$0xC010]  }
0xbc: {  	v9 =	vld [tilespmem:s4+$0xC020]  }
0xbd: {  	v10 =	vld [tilespmem:s4+$0xC030];
	v5 =	vshll.u32 v5, $0x5  }
0xbe: {  	v11 =	vld [tilespmem:s4+$0xC040];
	v5 =	vadd.s32 v5, v6  }
0xbf: {  	v7 =	vshll.u32 v7, $0x5;
	v6 =	vld [tilespmem:s4+$0xC050];
	v5 =	vadd.s32 v1, v5  }
0xc0: {  	v16 =	vshll.u32 v8, $0x5;
	v12 =	vld [tilespmem:s4+$0xC060]  }
0xc1: {  	v13 =	vld [tilespmem:s4+$0x8000];
	v17 =	vshll.u32 v9, $0x5  }
0xc2: {  	v9 =	vld [tilespmem:s4+$0x8010];
	v18 =	vshll.u32 v10, $0x5  }
0xc3: {  	v10 =	vld [tilespmem:s4+$0x8020];
	v8 =	vshll.u32 v11, $0x5  }
0xc4: {  	v6 =	vshll.u32 v6, $0x5;
	[tilespmem:v5+s25+$0x0] =	vst.idx.add.s32.msk $0xffff, v2  }
0xc5: {  	v19 =	vld [tilespmem:s4+$0x8030];
	v5 =	vshll.u32 v12, $0x5  }
.Ltmp3:
0xc6: {  	v7 =	vadd.s32 v7, v13;
	v12 =	vld [tilespmem:s4+$0x8040];
	(pc) =	sbr.rel @p0 .LBB2_8-.Ltmp3, $4  }
0xc7: {  	v13 =	vadd.s32 v1, v7;
	v7 =	vadd.s32 v16, v9;
	v9 =	vld [tilespmem:s4+$0x8050]  }
0xc8: {  	v11 =	vadd.s32 v1, v7;
	v10 =	vadd.s32 v17, v10;
	v7 =	vld [tilespmem:s4+$0x8060]  }
0xc9: {  	v10 =	vadd.s32 v1, v10;
	[tilespmem:v14+s25+$0x0] =	vst.idx.add.s32.msk $0xffff, v2  }
0xca: {  	v14 =	vadd.s32 v18, v19;
	[tilespmem:v15+s25+$0x0] =	vst.idx.add.s32.msk $0xffff, v2  }
0xcb: {  	_ =	sdelay $0x3  }
0xcc: {  	v14 =	vadd.s32 v1, v14;
	v8 =	vadd.s32 v8, v12;
	[tilespmem:v4+s25+$0x0] =	vst.idx.add.s32.msk $0xffff, v2  }
0xcd: {  	[tilespmem:v13+s25+$0x0] =	vst.idx.add.s32.msk $0xffff, v2;
	v4 =	vadd.s32 v1, v8;
	v6 =	vadd.s32 v6, v9  }
0xce: {  	[tilespmem:v11+s25+$0x0] =	vst.idx.add.s32.msk $0xffff, v2;
	v6 =	vadd.s32 v1, v6;
	v5 =	vadd.s32 v5, v7  }
0xcf: {  	[tilespmem:v10+s25+$0x0] =	vst.idx.add.s32.msk $0xffff, v2;
	v5 =	vadd.s32 v1, v5  }
0xd0: {  	[tilespmem:v3+s25+$0x0] =	vst.idx.add.s32.msk $0xffff, v2  }
0xd1: {  	[tilespmem:v14+s25+$0x0] =	vst.idx.add.s32.msk $0xffff, v2  }
0xd2: {  	[tilespmem:v4+s25+$0x0] =	vst.idx.add.s32.msk $0xffff, v2  }
0xd3: {  	[tilespmem:v6+s25+$0x0] =	vst.idx.add.s32.msk $0xffff, v2  }
0xd4: {  	s0 =	simm.s32 $0x0;
	[tilespmem:v5+s25+$0x0] =	vst.idx.add.s32.msk $0xffff, v2  }
0xd5: {  	[tilespmem:s23], [sflag:$0x2] =	stream.linear.gather [hbm4b:s10+s0], $0x4000, $0x38;
	[tilespmem:$0x14480] =	vst v63  }
0xd6: {  	_ = 	snop  }
0xd7: {  	[tilespmem:s24], [sflag:$0x2] =	stream.linear.gather [hbm4b:s11+s0], $0x4000, $0x38;
	[tilespmem:$0x14480] =	vst v63  }
0xd8: {  	_ =	swait.ge [sflag:s3], $0x4000  }
0xd9: {  	[sflag:s3] =	ssyncset.done $0x0  }
0xda: {  	s1 =	simm.s32 $0x0;
	s4 =	simm.s32 $0x0;
	[sflag:s3] =	ssyncadd.s32 $0xFFFFC000  }
0xdb: {  	s1 =	sand.u32 $0x3000, s1;
	s0 =	sand.u32 $0xC00, s0;
	_ =	swait.ge [sflag:s3], $0x4000  }
0xdc: {  	s5 =	sand.u32 $0x380, s4;
	s0 =	sor.u32 s0, s1;
	[sflag:s3] =	ssyncset.done $0x0  }
0xdd: {  	s0 =	sor.u32 s5, s0;
	[sflag:s3] =	ssyncadd.s32 $0xFFFFC000  }
0xde: {  	v3 =	vld [tilespmem:s0+$0x4070]  }
0xdf: {  	v4 =	vld [tilespmem:s0+$0x70]  }
0xe0: {  	v5 =	vld [tilespmem:s0+$0x4000]  }
0xe1: {  	v6 =	vld [tilespmem:s0+$0x4010]  }
0xe2: {  	v7 =	vld [tilespmem:s0+$0x4020]  }
0xe3: {  	v8 =	vld [tilespmem:s0+$0x4030]  }
0xe4: {  	v9 =	vld [tilespmem:s0+$0x4040]  }
0xe5: {  	s6 =	simm.s32 $0x80;
	s1 =	simm.s32 $0x400;
	v10 =	vld [tilespmem:s0+$0x0]  }
0xe6: {  	s31 =	simm.s32 $0x20;
	s4 =	sand.u32 $0x3000, s6;
	s28 =	sand.u32 $0xC00, s1;
	v11 =	vld [tilespmem:s0+$0x10]  }
0xe7: {  	s7 =	sand.u32 $0x380, s31;
	s4 =	sor.u32 s28, s4;
	v12 =	vld [tilespmem:s0+$0x20]  }
0xe8: {  	s31 =	sor.u32 s7, s4;
	v13 =	vld [tilespmem:s0+$0x4060]  }
0xe9: {  	v14 =	vld [tilespmem:s31+$0x4070]  }
0xea: {  	v15 =	vld [tilespmem:s31+$0x70]  }
0xeb: {  	v16 =	vld [tilespmem:s31+$0x4040];
	v3 =	vshll.u32 v3, $0x5  }
0xec: {  	v17 =	vld [tilespmem:s31+$0x4050];
	v3 =	vadd.s32 v3, v4  }
0xed: {  	v18 =	vld [tilespmem:s31+$0x0];
	v5 =	vshll.u32 v5, $0x5;
	v3 =	vadd.s32 v1, v3  }
0xee: {  	v19 =	vld [tilespmem:s31+$0x4060];
	v7 =	vshll.u32 v7, $0x5;
	v5 =	vadd.s32 v5, v10  }
0xef: {  	v4 =	vld [tilespmem:s0+$0x4050];
	v7 =	vadd.s32 v7, v12;
	v5 =	vadd.s32 v1, v5  }
0xf0: {  	v10 =	vld [tilespmem:s0+$0x40];
	v7 =	vadd.s32 v1, v7  }
0xf1: {  	v12 =	vld [tilespmem:s0+$0x60]  }
0xf2: {  	[tilespmem:v3+s25+$0x0] =	vst.idx.add.s32.msk $0xffff, v2;
	v3 =	vshll.u32 v6, $0x5  }
0xf3: {  	v6 =	vld [tilespmem:s0+$0x30];
	v3 =	vadd.s32 v3, v11  }
0xf4: {  	[tilespmem:v5+s25+$0x0] =	vst.idx.add.s32.msk $0xffff, v2;
	v5 =	vshll.u32 v14, $0x5;
	v3 =	vadd.s32 v1, v3  }
0xf5: {  	[tilespmem:v7+s25+$0x0] =	vst.idx.add.s32.msk $0xffff, v2;
	v5 =	vadd.s32 v5, v15  }
0xf6: {  	v7 =	vld [tilespmem:s31+$0x4010];
	v5 =	vadd.s32 v1, v5  }
0xf7: {  	v14 =	vld [tilespmem:s31+$0x4020]  }
0xf8: {  	v11 =	vld [tilespmem:s0+$0x50]  }
0xf9: {  	[tilespmem:v3+s25+$0x0] =	vst.idx.add.s32.msk $0xffff, v2  }
0xfa: {  	v3 =	vld [tilespmem:s31+$0x4000]  }
0xfb: {  	[tilespmem:v5+s25+$0x0] =	vst.idx.add.s32.msk $0xffff, v2  }
0xfc: {  	v4 =	vshll.u32 v4, $0x5;
	v5 =	vshll.u32 v8, $0x5;
	v8 =	vshll.u32 v9, $0x5;
	v9 =	vld [tilespmem:s31+$0x10]  }
0xfd: {  	v7 =	vshll.u32 v7, $0x5;
	v5 =	vadd.s32 v5, v6;
	v6 =	vadd.s32 v8, v10;
	v10 =	vld [tilespmem:s31+$0x20]  }
0xfe: {  	v15 =	vld [tilespmem:s31+$0x4030];
	v4 =	vadd.s32 v4, v11;
	v8 =	vshll.u32 v13, $0x5;
	v5 =	vadd.s32 v1, v5  }
0xff: {  	v21 =	vld [tilespmem:s31+$0x30];
	v20 =	vadd.s32 v1, v6;
	v6 =	vadd.s32 v8, v12;
	v3 =	vshll.u32 v3, $0x5  }
0x100: {  	v4 =	vadd.s32 v1, v4;
	v12 =	vld [tilespmem:s31+$0x40];
	v11 =	vadd.s32 v3, v18;
	v3 =	vadd.s32 v1, v6  }
0x101: {  	v6 =	vshll.u32 v14, $0x5;
	v14 =	vadd.s32 v7, v9;
	v9 =	vld [tilespmem:s31+$0x50];
	v13 =	vadd.s32 v1, v11  }
0x102: {  	v7 =	vld [tilespmem:s31+$0x60];
	v10 =	vadd.s32 v6, v10;
	v11 =	vadd.s32 v1, v14  }
0x103: {  	v15 =	vshll.u32 v15, $0x5;
	v8 =	vshll.u32 v16, $0x5;
	[tilespmem:v5+s25+$0x0] =	vst.idx.add.s32.msk $0xffff, v2;
	v10 =	vadd.s32 v1, v10  }
0x104: {  	s0 =	simm.s32 $0x8;
	v6 =	vshll.u32 v17, $0x5;
	v5 =	vshll.u32 v19, $0x5;
	v14 =	vadd.s32 v15, v21;
	[tilespmem:v20+s25+$0x0] =	vst.idx.add.s32.msk $0xffff, v2  }
.LBB2_10:
0x105: {  	s0 =	sadd.s32 $0x8, s0;
	v14 =	vadd.s32 v1, v14;
	v8 =	vadd.s32 v8, v12;
	[tilespmem:v4+s25+$0x0] =	vst.idx.add.s32.msk $0xffff, v2  }
0x106: {  	s1 =	sadd.s32 $0x400, s1;
	s4 =	sshll.u32 s0, $0x4;
	p0 =	slt.u32 s0, $0x3F8;
	[tilespmem:v13+s25+$0x0] =	vst.idx.add.s32.msk $0xffff, v2;
	v15 =	vadd.s32 v1, v8;
	v4 =	vadd.s32 v6, v9  }
0x107: {  	s28 =	sand.u32 $0xC00, s1;
	s31 =	sshll.u32 s0, $0x2;
	s4 =	sand.u32 $0x3000, s4;
	[tilespmem:v11+s25+$0x0] =	vst.idx.add.s32.msk $0xffff, v2;
	v4 =	vadd.s32 v1, v4;
	v5 =	vadd.s32 v5, v7  }
0x108: {  	s4 =	sor.u32 s28, s4;
	s28 =	sand.u32 $0x380, s31;
	[tilespmem:v10+s25+$0x0] =	vst.idx.add.s32.msk $0xffff, v2;
	v5 =	vadd.s32 v1, v5  }
0x109: {  	s4 =	sor.u32 s28, s4;
	[tilespmem:v3+s25+$0x0] =	vst.idx.add.s32.msk $0xffff, v2;
	v3 =	vmov v5  }
0x10a: {  	v5 =	vld [tilespmem:s4+$0x4070]  }
0x10b: {  	v6 =	vld [tilespmem:s4+$0x70]  }
0x10c: {  	v7 =	vld [tilespmem:s4+$0x4000]  }
0x10d: {  	v8 =	vld [tilespmem:s4+$0x4010]  }
0x10e: {  	v9 =	vld [tilespmem:s4+$0x4020]  }
0x10f: {  	v10 =	vld [tilespmem:s4+$0x4030];
	v5 =	vshll.u32 v5, $0x5  }
0x110: {  	v11 =	vld [tilespmem:s4+$0x4040];
	v5 =	vadd.s32 v5, v6  }
0x111: {  	v7 =	vshll.u32 v7, $0x5;
	v6 =	vld [tilespmem:s4+$0x4050];
	v5 =	vadd.s32 v1, v5  }
0x112: {  	v16 =	vshll.u32 v8, $0x5;
	v12 =	vld [tilespmem:s4+$0x4060]  }
0x113: {  	v13 =	vld [tilespmem:s4+$0x0];
	v17 =	vshll.u32 v9, $0x5  }
0x114: {  	v9 =	vld [tilespmem:s4+$0x10];
	v18 =	vshll.u32 v10, $0x5  }
0x115: {  	v10 =	vld [tilespmem:s4+$0x20];
	v8 =	vshll.u32 v11, $0x5  }
0x116: {  	v6 =	vshll.u32 v6, $0x5;
	[tilespmem:v5+s25+$0x0] =	vst.idx.add.s32.msk $0xffff, v2  }
0x117: {  	v19 =	vld [tilespmem:s4+$0x30];
	v5 =	vshll.u32 v12, $0x5  }
.Ltmp4:
0x118: {  	v7 =	vadd.s32 v7, v13;
	v12 =	vld [tilespmem:s4+$0x40];
	(pc) =	sbr.rel @p0 .LBB2_10-.Ltmp4, $4  }
0x119: {  	v13 =	vadd.s32 v1, v7;
	v7 =	vadd.s32 v16, v9;
	v9 =	vld [tilespmem:s4+$0x50]  }
0x11a: {  	v11 =	vadd.s32 v1, v7;
	v10 =	vadd.s32 v17, v10;
	v7 =	vld [tilespmem:s4+$0x60]  }
0x11b: {  	v10 =	vadd.s32 v1, v10;
	[tilespmem:v14+s25+$0x0] =	vst.idx.add.s32.msk $0xffff, v2  }
0x11c: {  	v14 =	vadd.s32 v18, v19;
	[tilespmem:v15+s25+$0x0] =	vst.idx.add.s32.msk $0xffff, v2  }
0x11d: {  	_ =	sdelay $0x3  }
0x11e: {  	v14 =	vadd.s32 v1, v14;
	v8 =	vadd.s32 v8, v12;
	[tilespmem:v4+s25+$0x0] =	vst.idx.add.s32.msk $0xffff, v2  }
0x11f: {  	[tilespmem:v13+s25+$0x0] =	vst.idx.add.s32.msk $0xffff, v2;
	v4 =	vadd.s32 v1, v8;
	v6 =	vadd.s32 v6, v9  }
0x120: {  	[tilespmem:v11+s25+$0x0] =	vst.idx.add.s32.msk $0xffff, v2;
	v6 =	vadd.s32 v1, v6;
	v5 =	vadd.s32 v5, v7  }
0x121: {  	[tilespmem:v10+s25+$0x0] =	vst.idx.add.s32.msk $0xffff, v2;
	v5 =	vadd.s32 v1, v5  }
0x122: {  	[tilespmem:v3+s25+$0x0] =	vst.idx.add.s32.msk $0xffff, v2  }
0x123: {  	[tilespmem:v14+s25+$0x0] =	vst.idx.add.s32.msk $0xffff, v2  }
0x124: {  	[tilespmem:v4+s25+$0x0] =	vst.idx.add.s32.msk $0xffff, v2  }
0x125: {  	[tilespmem:v6+s25+$0x0] =	vst.idx.add.s32.msk $0xffff, v2  }
0x126: {  	s0 =	simm.s32 $0x0;
	[tilespmem:v5+s25+$0x0] =	vst.idx.add.s32.msk $0xffff, v2  }
0x127: {  	[tilespmem:s0], [sflag:$0x1] =	stream.linear.gather [hbm4b:s12+s0], $0x4000, $0x38;
	[tilespmem:$0x14480] =	vst v63  }
0x128: {  	_ = 	snop  }
0x129: {  	[tilespmem:s22], [sflag:$0x1] =	stream.linear.gather [hbm4b:s13+s0], $0x4000, $0x38;
	[tilespmem:$0x14480] =	vst v63  }
0x12a: {  	_ =	swait.ge [sflag:s26], $0x4000  }
0x12b: {  	[sflag:s26] =	ssyncset.done $0x0  }
0x12c: {  	s1 =	simm.s32 $0x0;
	s4 =	simm.s32 $0x0;
	[sflag:s26] =	ssyncadd.s32 $0xFFFFC000  }
0x12d: {  	s1 =	sand.u32 $0x3000, s1;
	s0 =	sand.u32 $0xC00, s0;
	_ =	swait.ge [sflag:s26], $0x4000  }
0x12e: {  	s5 =	sand.u32 $0x380, s4;
	s0 =	sor.u32 s0, s1;
	[sflag:s26] =	ssyncset.done $0x0  }
0x12f: {  	s0 =	sor.u32 s5, s0;
	[sflag:s26] =	ssyncadd.s32 $0xFFFFC000  }
0x130: {  	v3 =	vld [tilespmem:s0+$0xC070]  }
0x131: {  	v4 =	vld [tilespmem:s0+$0x8070]  }
0x132: {  	v5 =	vld [tilespmem:s0+$0xC000]  }
0x133: {  	v6 =	vld [tilespmem:s0+$0xC010]  }
0x134: {  	v7 =	vld [tilespmem:s0+$0xC020]  }
0x135: {  	v8 =	vld [tilespmem:s0+$0xC030]  }
0x136: {  	v9 =	vld [tilespmem:s0+$0xC040]  }
0x137: {  	s6 =	simm.s32 $0x80;
	s1 =	simm.s32 $0x400;
	v10 =	vld [tilespmem:s0+$0x8000]  }
0x138: {  	s31 =	simm.s32 $0x20;
	s4 =	sand.u32 $0x3000, s6;
	s28 =	sand.u32 $0xC00, s1;
	v11 =	vld [tilespmem:s0+$0x8010]  }
0x139: {  	s7 =	sand.u32 $0x380, s31;
	s4 =	sor.u32 s28, s4;
	v12 =	vld [tilespmem:s0+$0x8020]  }
0x13a: {  	s31 =	sor.u32 s7, s4;
	v13 =	vld [tilespmem:s0+$0xC060]  }
0x13b: {  	v14 =	vld [tilespmem:s31+$0xC070]  }
0x13c: {  	v15 =	vld [tilespmem:s31+$0x8070]  }
0x13d: {  	v16 =	vld [tilespmem:s31+$0xC040];
	v3 =	vshll.u32 v3, $0x5  }
0x13e: {  	v17 =	vld [tilespmem:s31+$0xC050];
	v3 =	vadd.s32 v3, v4  }
0x13f: {  	v18 =	vld [tilespmem:s31+$0x8000];
	v5 =	vshll.u32 v5, $0x5;
	v3 =	vadd.s32 v1, v3  }
0x140: {  	v19 =	vld [tilespmem:s31+$0xC060];
	v7 =	vshll.u32 v7, $0x5;
	v5 =	vadd.s32 v5, v10  }
0x141: {  	v4 =	vld [tilespmem:s0+$0xC050];
	v7 =	vadd.s32 v7, v12;
	v5 =	vadd.s32 v1, v5  }
0x142: {  	v10 =	vld [tilespmem:s0+$0x8040];
	v7 =	vadd.s32 v1, v7  }
0x143: {  	v12 =	vld [tilespmem:s0+$0x8060]  }
0x144: {  	[tilespmem:v3+s25+$0x0] =	vst.idx.add.s32.msk $0xffff, v2;
	v3 =	vshll.u32 v6, $0x5  }
0x145: {  	v6 =	vld [tilespmem:s0+$0x8030];
	v3 =	vadd.s32 v3, v11  }
0x146: {  	[tilespmem:v5+s25+$0x0] =	vst.idx.add.s32.msk $0xffff, v2;
	v5 =	vshll.u32 v14, $0x5;
	v3 =	vadd.s32 v1, v3  }
0x147: {  	[tilespmem:v7+s25+$0x0] =	vst.idx.add.s32.msk $0xffff, v2;
	v5 =	vadd.s32 v5, v15  }
0x148: {  	v7 =	vld [tilespmem:s31+$0xC010];
	v5 =	vadd.s32 v1, v5  }
0x149: {  	v14 =	vld [tilespmem:s31+$0xC020]  }
0x14a: {  	v11 =	vld [tilespmem:s0+$0x8050]  }
0x14b: {  	[tilespmem:v3+s25+$0x0] =	vst.idx.add.s32.msk $0xffff, v2  }
0x14c: {  	v3 =	vld [tilespmem:s31+$0xC000]  }
0x14d: {  	[tilespmem:v5+s25+$0x0] =	vst.idx.add.s32.msk $0xffff, v2  }
0x14e: {  	v4 =	vshll.u32 v4, $0x5;
	v5 =	vshll.u32 v8, $0x5;
	v8 =	vshll.u32 v9, $0x5;
	v9 =	vld [tilespmem:s31+$0x8010]  }
0x14f: {  	v7 =	vshll.u32 v7, $0x5;
	v5 =	vadd.s32 v5, v6;
	v6 =	vadd.s32 v8, v10;
	v10 =	vld [tilespmem:s31+$0x8020]  }
0x150: {  	v15 =	vld [tilespmem:s31+$0xC030];
	v4 =	vadd.s32 v4, v11;
	v8 =	vshll.u32 v13, $0x5;
	v5 =	vadd.s32 v1, v5  }
0x151: {  	v21 =	vld [tilespmem:s31+$0x8030];
	v20 =	vadd.s32 v1, v6;
	v6 =	vadd.s32 v8, v12;
	v3 =	vshll.u32 v3, $0x5  }
0x152: {  	v4 =	vadd.s32 v1, v4;
	v12 =	vld [tilespmem:s31+$0x8040];
	v11 =	vadd.s32 v3, v18;
	v3 =	vadd.s32 v1, v6  }
0x153: {  	v6 =	vshll.u32 v14, $0x5;
	v14 =	vadd.s32 v7, v9;
	v9 =	vld [tilespmem:s31+$0x8050];
	v13 =	vadd.s32 v1, v11  }
0x154: {  	v7 =	vld [tilespmem:s31+$0x8060];
	v10 =	vadd.s32 v6, v10;
	v11 =	vadd.s32 v1, v14  }
0x155: {  	v15 =	vshll.u32 v15, $0x5;
	v8 =	vshll.u32 v16, $0x5;
	[tilespmem:v5+s25+$0x0] =	vst.idx.add.s32.msk $0xffff, v2;
	v10 =	vadd.s32 v1, v10  }
0x156: {  	s0 =	simm.s32 $0x8;
	v6 =	vshll.u32 v17, $0x5;
	v5 =	vshll.u32 v19, $0x5;
	v14 =	vadd.s32 v15, v21;
	[tilespmem:v20+s25+$0x0] =	vst.idx.add.s32.msk $0xffff, v2  }
.LBB2_12:
0x157: {  	s0 =	sadd.s32 $0x8, s0;
	v14 =	vadd.s32 v1, v14;
	v8 =	vadd.s32 v8, v12;
	[tilespmem:v4+s25+$0x0] =	vst.idx.add.s32.msk $0xffff, v2  }
0x158: {  	s1 =	sadd.s32 $0x400, s1;
	s4 =	sshll.u32 s0, $0x4;
	p0 =	slt.u32 s0, $0x3F8;
	[tilespmem:v13+s25+$0x0] =	vst.idx.add.s32.msk $0xffff, v2;
	v15 =	vadd.s32 v1, v8;
	v4 =	vadd.s32 v6, v9  }
0x159: {  	s28 =	sand.u32 $0xC00, s1;
	s31 =	sshll.u32 s0, $0x2;
	s4 =	sand.u32 $0x3000, s4;
	[tilespmem:v11+s25+$0x0] =	vst.idx.add.s32.msk $0xffff, v2;
	v4 =	vadd.s32 v1, v4;
	v5 =	vadd.s32 v5, v7  }
0x15a: {  	s4 =	sor.u32 s28, s4;
	s28 =	sand.u32 $0x380, s31;
	[tilespmem:v10+s25+$0x0] =	vst.idx.add.s32.msk $0xffff, v2;
	v5 =	vadd.s32 v1, v5  }
0x15b: {  	s4 =	sor.u32 s28, s4;
	[tilespmem:v3+s25+$0x0] =	vst.idx.add.s32.msk $0xffff, v2;
	v3 =	vmov v5  }
0x15c: {  	v5 =	vld [tilespmem:s4+$0xC070]  }
0x15d: {  	v6 =	vld [tilespmem:s4+$0x8070]  }
0x15e: {  	v7 =	vld [tilespmem:s4+$0xC000]  }
0x15f: {  	v8 =	vld [tilespmem:s4+$0xC010]  }
0x160: {  	v9 =	vld [tilespmem:s4+$0xC020]  }
0x161: {  	v10 =	vld [tilespmem:s4+$0xC030];
	v5 =	vshll.u32 v5, $0x5  }
0x162: {  	v11 =	vld [tilespmem:s4+$0xC040];
	v5 =	vadd.s32 v5, v6  }
0x163: {  	v7 =	vshll.u32 v7, $0x5;
	v6 =	vld [tilespmem:s4+$0xC050];
	v5 =	vadd.s32 v1, v5  }
0x164: {  	v16 =	vshll.u32 v8, $0x5;
	v12 =	vld [tilespmem:s4+$0xC060]  }
0x165: {  	v13 =	vld [tilespmem:s4+$0x8000];
	v17 =	vshll.u32 v9, $0x5  }
0x166: {  	v9 =	vld [tilespmem:s4+$0x8010];
	v18 =	vshll.u32 v10, $0x5  }
0x167: {  	v10 =	vld [tilespmem:s4+$0x8020];
	v8 =	vshll.u32 v11, $0x5  }
0x168: {  	v6 =	vshll.u32 v6, $0x5;
	[tilespmem:v5+s25+$0x0] =	vst.idx.add.s32.msk $0xffff, v2  }
0x169: {  	v19 =	vld [tilespmem:s4+$0x8030];
	v5 =	vshll.u32 v12, $0x5  }
.Ltmp5:
0x16a: {  	v7 =	vadd.s32 v7, v13;
	v12 =	vld [tilespmem:s4+$0x8040];
	(pc) =	sbr.rel @p0 .LBB2_12-.Ltmp5, $4  }
0x16b: {  	v13 =	vadd.s32 v1, v7;
	v7 =	vadd.s32 v16, v9;
	v9 =	vld [tilespmem:s4+$0x8050]  }
0x16c: {  	v11 =	vadd.s32 v1, v7;
	v10 =	vadd.s32 v17, v10;
	v7 =	vld [tilespmem:s4+$0x8060]  }
0x16d: {  	v10 =	vadd.s32 v1, v10;
	[tilespmem:v14+s25+$0x0] =	vst.idx.add.s32.msk $0xffff, v2  }
0x16e: {  	v14 =	vadd.s32 v18, v19;
	[tilespmem:v15+s25+$0x0] =	vst.idx.add.s32.msk $0xffff, v2  }
0x16f: {  	_ =	sdelay $0x3  }
0x170: {  	v14 =	vadd.s32 v1, v14;
	v8 =	vadd.s32 v8, v12;
	[tilespmem:v4+s25+$0x0] =	vst.idx.add.s32.msk $0xffff, v2  }
0x171: {  	[tilespmem:v13+s25+$0x0] =	vst.idx.add.s32.msk $0xffff, v2;
	v4 =	vadd.s32 v1, v8;
	v6 =	vadd.s32 v6, v9  }
0x172: {  	[tilespmem:v11+s25+$0x0] =	vst.idx.add.s32.msk $0xffff, v2;
	v6 =	vadd.s32 v1, v6;
	v5 =	vadd.s32 v5, v7  }
0x173: {  	[tilespmem:v10+s25+$0x0] =	vst.idx.add.s32.msk $0xffff, v2;
	v5 =	vadd.s32 v1, v5  }
0x174: {  	[tilespmem:v3+s25+$0x0] =	vst.idx.add.s32.msk $0xffff, v2  }
0x175: {  	[tilespmem:v14+s25+$0x0] =	vst.idx.add.s32.msk $0xffff, v2  }
0x176: {  	[tilespmem:v4+s25+$0x0] =	vst.idx.add.s32.msk $0xffff, v2  }
0x177: {  	[tilespmem:v6+s25+$0x0] =	vst.idx.add.s32.msk $0xffff, v2  }
0x178: {  	s0 =	simm.s32 $0x0;
	[tilespmem:v5+s25+$0x0] =	vst.idx.add.s32.msk $0xffff, v2  }
0x179: {  	[tilespmem:s23], [sflag:$0x2] =	stream.linear.gather [hbm4b:s14+s0], $0x4000, $0x38;
	[tilespmem:$0x14480] =	vst v63  }
0x17a: {  	_ = 	snop  }
0x17b: {  	[tilespmem:s24], [sflag:$0x2] =	stream.linear.gather [hbm4b:s15+s0], $0x4000, $0x38;
	[tilespmem:$0x14480] =	vst v63  }
0x17c: {  	_ =	swait.ge [sflag:s3], $0x4000  }
0x17d: {  	[sflag:s3] =	ssyncset.done $0x0  }
0x17e: {  	s1 =	simm.s32 $0x0;
	s4 =	simm.s32 $0x0;
	[sflag:s3] =	ssyncadd.s32 $0xFFFFC000  }
0x17f: {  	s1 =	sand.u32 $0x3000, s1;
	s0 =	sand.u32 $0xC00, s0;
	_ =	swait.ge [sflag:s3], $0x4000  }
0x180: {  	s5 =	sand.u32 $0x380, s4;
	s0 =	sor.u32 s0, s1;
	[sflag:s3] =	ssyncset.done $0x0  }
0x181: {  	s0 =	sor.u32 s5, s0;
	[sflag:s3] =	ssyncadd.s32 $0xFFFFC000  }
0x182: {  	v3 =	vld [tilespmem:s0+$0x4070]  }
0x183: {  	v4 =	vld [tilespmem:s0+$0x70]  }
0x184: {  	v5 =	vld [tilespmem:s0+$0x4000]  }
0x185: {  	v6 =	vld [tilespmem:s0+$0x4010]  }
0x186: {  	v7 =	vld [tilespmem:s0+$0x4020]  }
0x187: {  	v8 =	vld [tilespmem:s0+$0x4030]  }
0x188: {  	v9 =	vld [tilespmem:s0+$0x4040]  }
0x189: {  	s6 =	simm.s32 $0x80;
	s1 =	simm.s32 $0x400;
	v10 =	vld [tilespmem:s0+$0x0]  }
0x18a: {  	s31 =	simm.s32 $0x20;
	s4 =	sand.u32 $0x3000, s6;
	s28 =	sand.u32 $0xC00, s1;
	v11 =	vld [tilespmem:s0+$0x10]  }
0x18b: {  	s7 =	sand.u32 $0x380, s31;
	s4 =	sor.u32 s28, s4;
	v12 =	vld [tilespmem:s0+$0x20]  }
0x18c: {  	s31 =	sor.u32 s7, s4;
	v13 =	vld [tilespmem:s0+$0x4060]  }
0x18d: {  	v14 =	vld [tilespmem:s31+$0x4070]  }
0x18e: {  	v15 =	vld [tilespmem:s31+$0x70]  }
0x18f: {  	v16 =	vld [tilespmem:s31+$0x4040];
	v3 =	vshll.u32 v3, $0x5  }
0x190: {  	v17 =	vld [tilespmem:s31+$0x4050];
	v3 =	vadd.s32 v3, v4  }
0x191: {  	v18 =	vld [tilespmem:s31+$0x0];
	v5 =	vshll.u32 v5, $0x5;
	v3 =	vadd.s32 v1, v3  }
0x192: {  	v19 =	vld [tilespmem:s31+$0x4060];
	v7 =	vshll.u32 v7, $0x5;
	v5 =	vadd.s32 v5, v10  }
0x193: {  	v4 =	vld [tilespmem:s0+$0x4050];
	v7 =	vadd.s32 v7, v12;
	v5 =	vadd.s32 v1, v5  }
0x194: {  	v10 =	vld [tilespmem:s0+$0x40];
	v7 =	vadd.s32 v1, v7  }
0x195: {  	v12 =	vld [tilespmem:s0+$0x60]  }
0x196: {  	[tilespmem:v3+s25+$0x0] =	vst.idx.add.s32.msk $0xffff, v2;
	v3 =	vshll.u32 v6, $0x5  }
0x197: {  	v6 =	vld [tilespmem:s0+$0x30];
	v3 =	vadd.s32 v3, v11  }
0x198: {  	[tilespmem:v5+s25+$0x0] =	vst.idx.add.s32.msk $0xffff, v2;
	v5 =	vshll.u32 v14, $0x5;
	v3 =	vadd.s32 v1, v3  }
0x199: {  	[tilespmem:v7+s25+$0x0] =	vst.idx.add.s32.msk $0xffff, v2;
	v5 =	vadd.s32 v5, v15  }
0x19a: {  	v7 =	vld [tilespmem:s31+$0x4010];
	v5 =	vadd.s32 v1, v5  }
0x19b: {  	v14 =	vld [tilespmem:s31+$0x4020]  }
0x19c: {  	v11 =	vld [tilespmem:s0+$0x50]  }
0x19d: {  	[tilespmem:v3+s25+$0x0] =	vst.idx.add.s32.msk $0xffff, v2  }
0x19e: {  	v3 =	vld [tilespmem:s31+$0x4000]  }
0x19f: {  	[tilespmem:v5+s25+$0x0] =	vst.idx.add.s32.msk $0xffff, v2  }
0x1a0: {  	v4 =	vshll.u32 v4, $0x5;
	v5 =	vshll.u32 v8, $0x5;
	v8 =	vshll.u32 v9, $0x5;
	v9 =	vld [tilespmem:s31+$0x10]  }
0x1a1: {  	v7 =	vshll.u32 v7, $0x5;
	v5 =	vadd.s32 v5, v6;
	v6 =	vadd.s32 v8, v10;
	v10 =	vld [tilespmem:s31+$0x20]  }
0x1a2: {  	v15 =	vld [tilespmem:s31+$0x4030];
	v4 =	vadd.s32 v4, v11;
	v8 =	vshll.u32 v13, $0x5;
	v5 =	vadd.s32 v1, v5  }
0x1a3: {  	v21 =	vld [tilespmem:s31+$0x30];
	v20 =	vadd.s32 v1, v6;
	v6 =	vadd.s32 v8, v12;
	v3 =	vshll.u32 v3, $0x5  }
0x1a4: {  	v4 =	vadd.s32 v1, v4;
	v12 =	vld [tilespmem:s31+$0x40];
	v11 =	vadd.s32 v3, v18;
	v3 =	vadd.s32 v1, v6  }
0x1a5: {  	v6 =	vshll.u32 v14, $0x5;
	v14 =	vadd.s32 v7, v9;
	v9 =	vld [tilespmem:s31+$0x50];
	v13 =	vadd.s32 v1, v11  }
0x1a6: {  	v7 =	vld [tilespmem:s31+$0x60];
	v10 =	vadd.s32 v6, v10;
	v11 =	vadd.s32 v1, v14  }
0x1a7: {  	v15 =	vshll.u32 v15, $0x5;
	v8 =	vshll.u32 v16, $0x5;
	[tilespmem:v5+s25+$0x0] =	vst.idx.add.s32.msk $0xffff, v2;
	v10 =	vadd.s32 v1, v10  }
0x1a8: {  	s0 =	simm.s32 $0x8;
	v6 =	vshll.u32 v17, $0x5;
	v5 =	vshll.u32 v19, $0x5;
	v14 =	vadd.s32 v15, v21;
	[tilespmem:v20+s25+$0x0] =	vst.idx.add.s32.msk $0xffff, v2  }
.LBB2_14:
0x1a9: {  	s0 =	sadd.s32 $0x8, s0;
	v14 =	vadd.s32 v1, v14;
	v8 =	vadd.s32 v8, v12;
	[tilespmem:v4+s25+$0x0] =	vst.idx.add.s32.msk $0xffff, v2  }
0x1aa: {  	s1 =	sadd.s32 $0x400, s1;
	s4 =	sshll.u32 s0, $0x4;
	p0 =	slt.u32 s0, $0x3F8;
	[tilespmem:v13+s25+$0x0] =	vst.idx.add.s32.msk $0xffff, v2;
	v15 =	vadd.s32 v1, v8;
	v4 =	vadd.s32 v6, v9  }
0x1ab: {  	s28 =	sand.u32 $0xC00, s1;
	s31 =	sshll.u32 s0, $0x2;
	s4 =	sand.u32 $0x3000, s4;
	[tilespmem:v11+s25+$0x0] =	vst.idx.add.s32.msk $0xffff, v2;
	v4 =	vadd.s32 v1, v4;
	v5 =	vadd.s32 v5, v7  }
0x1ac: {  	s4 =	sor.u32 s28, s4;
	s28 =	sand.u32 $0x380, s31;
	[tilespmem:v10+s25+$0x0] =	vst.idx.add.s32.msk $0xffff, v2;
	v5 =	vadd.s32 v1, v5  }
0x1ad: {  	s4 =	sor.u32 s28, s4;
	[tilespmem:v3+s25+$0x0] =	vst.idx.add.s32.msk $0xffff, v2;
	v3 =	vmov v5  }
0x1ae: {  	v5 =	vld [tilespmem:s4+$0x4070]  }
0x1af: {  	v6 =	vld [tilespmem:s4+$0x70]  }
0x1b0: {  	v7 =	vld [tilespmem:s4+$0x4000]  }
0x1b1: {  	v8 =	vld [tilespmem:s4+$0x4010]  }
0x1b2: {  	v9 =	vld [tilespmem:s4+$0x4020]  }
0x1b3: {  	v10 =	vld [tilespmem:s4+$0x4030];
	v5 =	vshll.u32 v5, $0x5  }
0x1b4: {  	v11 =	vld [tilespmem:s4+$0x4040];
	v5 =	vadd.s32 v5, v6  }
0x1b5: {  	v7 =	vshll.u32 v7, $0x5;
	v6 =	vld [tilespmem:s4+$0x4050];
	v5 =	vadd.s32 v1, v5  }
0x1b6: {  	v16 =	vshll.u32 v8, $0x5;
	v12 =	vld [tilespmem:s4+$0x4060]  }
0x1b7: {  	v13 =	vld [tilespmem:s4+$0x0];
	v17 =	vshll.u32 v9, $0x5  }
0x1b8: {  	v9 =	vld [tilespmem:s4+$0x10];
	v18 =	vshll.u32 v10, $0x5  }
0x1b9: {  	v10 =	vld [tilespmem:s4+$0x20];
	v8 =	vshll.u32 v11, $0x5  }
0x1ba: {  	v6 =	vshll.u32 v6, $0x5;
	[tilespmem:v5+s25+$0x0] =	vst.idx.add.s32.msk $0xffff, v2  }
0x1bb: {  	v19 =	vld [tilespmem:s4+$0x30];
	v5 =	vshll.u32 v12, $0x5  }
.Ltmp6:
0x1bc: {  	v7 =	vadd.s32 v7, v13;
	v12 =	vld [tilespmem:s4+$0x40];
	(pc) =	sbr.rel @p0 .LBB2_14-.Ltmp6, $4  }
0x1bd: {  	v13 =	vadd.s32 v1, v7;
	v7 =	vadd.s32 v16, v9;
	v9 =	vld [tilespmem:s4+$0x50]  }
0x1be: {  	v11 =	vadd.s32 v1, v7;
	v10 =	vadd.s32 v17, v10;
	v7 =	vld [tilespmem:s4+$0x60]  }
0x1bf: {  	v10 =	vadd.s32 v1, v10;
	[tilespmem:v14+s25+$0x0] =	vst.idx.add.s32.msk $0xffff, v2  }
0x1c0: {  	v14 =	vadd.s32 v18, v19;
	[tilespmem:v15+s25+$0x0] =	vst.idx.add.s32.msk $0xffff, v2  }
0x1c1: {  	_ =	sdelay $0x3  }
0x1c2: {  	v14 =	vadd.s32 v1, v14;
	v8 =	vadd.s32 v8, v12;
	[tilespmem:v4+s25+$0x0] =	vst.idx.add.s32.msk $0xffff, v2  }
0x1c3: {  	[tilespmem:v13+s25+$0x0] =	vst.idx.add.s32.msk $0xffff, v2;
	v4 =	vadd.s32 v1, v8;
	v6 =	vadd.s32 v6, v9  }
0x1c4: {  	[tilespmem:v11+s25+$0x0] =	vst.idx.add.s32.msk $0xffff, v2;
	v6 =	vadd.s32 v1, v6;
	v5 =	vadd.s32 v5, v7  }
0x1c5: {  	[tilespmem:v10+s25+$0x0] =	vst.idx.add.s32.msk $0xffff, v2;
	v5 =	vadd.s32 v1, v5  }
0x1c6: {  	[tilespmem:v3+s25+$0x0] =	vst.idx.add.s32.msk $0xffff, v2  }
0x1c7: {  	[tilespmem:v14+s25+$0x0] =	vst.idx.add.s32.msk $0xffff, v2  }
0x1c8: {  	[tilespmem:v4+s25+$0x0] =	vst.idx.add.s32.msk $0xffff, v2  }
0x1c9: {  	[tilespmem:v6+s25+$0x0] =	vst.idx.add.s32.msk $0xffff, v2  }
0x1ca: {  	s0 =	simm.s32 $0x0;
	[tilespmem:v5+s25+$0x0] =	vst.idx.add.s32.msk $0xffff, v2  }
0x1cb: {  	[tilespmem:s0], [sflag:$0x1] =	stream.linear.gather [hbm4b:s16+s0], $0x4000, $0x38;
	[tilespmem:$0x14480] =	vst v63  }
0x1cc: {  	_ = 	snop  }
0x1cd: {  	[tilespmem:s22], [sflag:$0x1] =	stream.linear.gather [hbm4b:s17+s0], $0x4000, $0x38;
	[tilespmem:$0x14480] =	vst v63  }
0x1ce: {  	_ =	swait.ge [sflag:s26], $0x4000  }
0x1cf: {  	[sflag:s26] =	ssyncset.done $0x0  }
0x1d0: {  	s1 =	simm.s32 $0x0;
	s4 =	simm.s32 $0x0;
	[sflag:s26] =	ssyncadd.s32 $0xFFFFC000  }
0x1d1: {  	s1 =	sand.u32 $0x3000, s1;
	s0 =	sand.u32 $0xC00, s0;
	_ =	swait.ge [sflag:s26], $0x4000  }
0x1d2: {  	s5 =	sand.u32 $0x380, s4;
	s0 =	sor.u32 s0, s1;
	[sflag:s26] =	ssyncset.done $0x0  }
0x1d3: {  	s0 =	sor.u32 s5, s0;
	[sflag:s26] =	ssyncadd.s32 $0xFFFFC000  }
0x1d4: {  	v3 =	vld [tilespmem:s0+$0xC070]  }
0x1d5: {  	v4 =	vld [tilespmem:s0+$0x8070]  }
0x1d6: {  	v5 =	vld [tilespmem:s0+$0xC000]  }
0x1d7: {  	v6 =	vld [tilespmem:s0+$0xC010]  }
0x1d8: {  	v7 =	vld [tilespmem:s0+$0xC020]  }
0x1d9: {  	v8 =	vld [tilespmem:s0+$0xC030]  }
0x1da: {  	v9 =	vld [tilespmem:s0+$0xC040]  }
0x1db: {  	s6 =	simm.s32 $0x80;
	s1 =	simm.s32 $0x400;
	v10 =	vld [tilespmem:s0+$0x8000]  }
0x1dc: {  	s31 =	simm.s32 $0x20;
	s4 =	sand.u32 $0x3000, s6;
	s28 =	sand.u32 $0xC00, s1;
	v11 =	vld [tilespmem:s0+$0x8010]  }
0x1dd: {  	s7 =	sand.u32 $0x380, s31;
	s4 =	sor.u32 s28, s4;
	v12 =	vld [tilespmem:s0+$0x8020]  }
0x1de: {  	s31 =	sor.u32 s7, s4;
	v13 =	vld [tilespmem:s0+$0xC060]  }
0x1df: {  	v14 =	vld [tilespmem:s31+$0xC070]  }
0x1e0: {  	v15 =	vld [tilespmem:s31+$0x8070]  }
0x1e1: {  	v16 =	vld [tilespmem:s31+$0xC040];
	v3 =	vshll.u32 v3, $0x5  }
0x1e2: {  	v17 =	vld [tilespmem:s31+$0xC050];
	v3 =	vadd.s32 v3, v4  }
0x1e3: {  	v18 =	vld [tilespmem:s31+$0x8000];
	v5 =	vshll.u32 v5, $0x5;
	v3 =	vadd.s32 v1, v3  }
0x1e4: {  	v19 =	vld [tilespmem:s31+$0xC060];
	v7 =	vshll.u32 v7, $0x5;
	v5 =	vadd.s32 v5, v10  }
0x1e5: {  	v4 =	vld [tilespmem:s0+$0xC050];
	v7 =	vadd.s32 v7, v12;
	v5 =	vadd.s32 v1, v5  }
0x1e6: {  	v10 =	vld [tilespmem:s0+$0x8040];
	v7 =	vadd.s32 v1, v7  }
0x1e7: {  	v12 =	vld [tilespmem:s0+$0x8060]  }
0x1e8: {  	[tilespmem:v3+s25+$0x0] =	vst.idx.add.s32.msk $0xffff, v2;
	v3 =	vshll.u32 v6, $0x5  }
0x1e9: {  	v6 =	vld [tilespmem:s0+$0x8030];
	v3 =	vadd.s32 v3, v11  }
0x1ea: {  	[tilespmem:v5+s25+$0x0] =	vst.idx.add.s32.msk $0xffff, v2;
	v5 =	vshll.u32 v14, $0x5;
	v3 =	vadd.s32 v1, v3  }
0x1eb: {  	[tilespmem:v7+s25+$0x0] =	vst.idx.add.s32.msk $0xffff, v2;
	v5 =	vadd.s32 v5, v15  }
0x1ec: {  	v7 =	vld [tilespmem:s31+$0xC010];
	v5 =	vadd.s32 v1, v5  }
0x1ed: {  	v14 =	vld [tilespmem:s31+$0xC020]  }
0x1ee: {  	v11 =	vld [tilespmem:s0+$0x8050]  }
0x1ef: {  	[tilespmem:v3+s25+$0x0] =	vst.idx.add.s32.msk $0xffff, v2  }
0x1f0: {  	v3 =	vld [tilespmem:s31+$0xC000]  }
0x1f1: {  	[tilespmem:v5+s25+$0x0] =	vst.idx.add.s32.msk $0xffff, v2  }
0x1f2: {  	v4 =	vshll.u32 v4, $0x5;
	v5 =	vshll.u32 v8, $0x5;
	v8 =	vshll.u32 v9, $0x5;
	v9 =	vld [tilespmem:s31+$0x8010]  }
0x1f3: {  	v7 =	vshll.u32 v7, $0x5;
	v5 =	vadd.s32 v5, v6;
	v6 =	vadd.s32 v8, v10;
	v10 =	vld [tilespmem:s31+$0x8020]  }
0x1f4: {  	v15 =	vld [tilespmem:s31+$0xC030];
	v4 =	vadd.s32 v4, v11;
	v8 =	vshll.u32 v13, $0x5;
	v5 =	vadd.s32 v1, v5  }
0x1f5: {  	v21 =	vld [tilespmem:s31+$0x8030];
	v20 =	vadd.s32 v1, v6;
	v6 =	vadd.s32 v8, v12;
	v3 =	vshll.u32 v3, $0x5  }
0x1f6: {  	v4 =	vadd.s32 v1, v4;
	v12 =	vld [tilespmem:s31+$0x8040];
	v11 =	vadd.s32 v3, v18;
	v3 =	vadd.s32 v1, v6  }
0x1f7: {  	v6 =	vshll.u32 v14, $0x5;
	v14 =	vadd.s32 v7, v9;
	v9 =	vld [tilespmem:s31+$0x8050];
	v13 =	vadd.s32 v1, v11  }
0x1f8: {  	v7 =	vld [tilespmem:s31+$0x8060];
	v10 =	vadd.s32 v6, v10;
	v11 =	vadd.s32 v1, v14  }
0x1f9: {  	v15 =	vshll.u32 v15, $0x5;
	v8 =	vshll.u32 v16, $0x5;
	[tilespmem:v5+s25+$0x0] =	vst.idx.add.s32.msk $0xffff, v2;
	v10 =	vadd.s32 v1, v10  }
0x1fa: {  	s0 =	simm.s32 $0x8;
	v6 =	vshll.u32 v17, $0x5;
	v5 =	vshll.u32 v19, $0x5;
	v14 =	vadd.s32 v15, v21;
	[tilespmem:v20+s25+$0x0] =	vst.idx.add.s32.msk $0xffff, v2  }
.LBB2_16:
0x1fb: {  	s0 =	sadd.s32 $0x8, s0;
	v14 =	vadd.s32 v1, v14;
	v8 =	vadd.s32 v8, v12;
	[tilespmem:v4+s25+$0x0] =	vst.idx.add.s32.msk $0xffff, v2  }
0x1fc: {  	s1 =	sadd.s32 $0x400, s1;
	s4 =	sshll.u32 s0, $0x4;
	p0 =	slt.u32 s0, $0x3F8;
	[tilespmem:v13+s25+$0x0] =	vst.idx.add.s32.msk $0xffff, v2;
	v15 =	vadd.s32 v1, v8;
	v4 =	vadd.s32 v6, v9  }
0x1fd: {  	s28 =	sand.u32 $0xC00, s1;
	s31 =	sshll.u32 s0, $0x2;
	s4 =	sand.u32 $0x3000, s4;
	[tilespmem:v11+s25+$0x0] =	vst.idx.add.s32.msk $0xffff, v2;
	v4 =	vadd.s32 v1, v4;
	v5 =	vadd.s32 v5, v7  }
0x1fe: {  	s4 =	sor.u32 s28, s4;
	s28 =	sand.u32 $0x380, s31;
	[tilespmem:v10+s25+$0x0] =	vst.idx.add.s32.msk $0xffff, v2;
	v5 =	vadd.s32 v1, v5  }
0x1ff: {  	s4 =	sor.u32 s28, s4;
	[tilespmem:v3+s25+$0x0] =	vst.idx.add.s32.msk $0xffff, v2;
	v3 =	vmov v5  }
0x200: {  	v5 =	vld [tilespmem:s4+$0xC070]  }
0x201: {  	v6 =	vld [tilespmem:s4+$0x8070]  }
0x202: {  	v7 =	vld [tilespmem:s4+$0xC000]  }
0x203: {  	v8 =	vld [tilespmem:s4+$0xC010]  }
0x204: {  	v9 =	vld [tilespmem:s4+$0xC020]  }
0x205: {  	v10 =	vld [tilespmem:s4+$0xC030];
	v5 =	vshll.u32 v5, $0x5  }
0x206: {  	v11 =	vld [tilespmem:s4+$0xC040];
	v5 =	vadd.s32 v5, v6  }
0x207: {  	v7 =	vshll.u32 v7, $0x5;
	v6 =	vld [tilespmem:s4+$0xC050];
	v5 =	vadd.s32 v1, v5  }
0x208: {  	v16 =	vshll.u32 v8, $0x5;
	v12 =	vld [tilespmem:s4+$0xC060]  }
0x209: {  	v13 =	vld [tilespmem:s4+$0x8000];
	v17 =	vshll.u32 v9, $0x5  }
0x20a: {  	v9 =	vld [tilespmem:s4+$0x8010];
	v18 =	vshll.u32 v10, $0x5  }
0x20b: {  	v10 =	vld [tilespmem:s4+$0x8020];
	v8 =	vshll.u32 v11, $0x5  }
0x20c: {  	v6 =	vshll.u32 v6, $0x5;
	[tilespmem:v5+s25+$0x0] =	vst.idx.add.s32.msk $0xffff, v2  }
0x20d: {  	v19 =	vld [tilespmem:s4+$0x8030];
	v5 =	vshll.u32 v12, $0x5  }
.Ltmp7:
0x20e: {  	v7 =	vadd.s32 v7, v13;
	v12 =	vld [tilespmem:s4+$0x8040];
	(pc) =	sbr.rel @p0 .LBB2_16-.Ltmp7, $4  }
0x20f: {  	v13 =	vadd.s32 v1, v7;
	v7 =	vadd.s32 v16, v9;
	v9 =	vld [tilespmem:s4+$0x8050]  }
0x210: {  	v11 =	vadd.s32 v1, v7;
	v10 =	vadd.s32 v17, v10;
	v7 =	vld [tilespmem:s4+$0x8060]  }
0x211: {  	v10 =	vadd.s32 v1, v10;
	[tilespmem:v14+s25+$0x0] =	vst.idx.add.s32.msk $0xffff, v2  }
0x212: {  	v14 =	vadd.s32 v18, v19;
	[tilespmem:v15+s25+$0x0] =	vst.idx.add.s32.msk $0xffff, v2  }
0x213: {  	_ =	sdelay $0x3  }
0x214: {  	v14 =	vadd.s32 v1, v14;
	v8 =	vadd.s32 v8, v12;
	[tilespmem:v4+s25+$0x0] =	vst.idx.add.s32.msk $0xffff, v2  }
0x215: {  	[tilespmem:v13+s25+$0x0] =	vst.idx.add.s32.msk $0xffff, v2;
	v4 =	vadd.s32 v1, v8;
	v6 =	vadd.s32 v6, v9  }
0x216: {  	[tilespmem:v11+s25+$0x0] =	vst.idx.add.s32.msk $0xffff, v2;
	v6 =	vadd.s32 v1, v6;
	v5 =	vadd.s32 v5, v7  }
0x217: {  	[tilespmem:v10+s25+$0x0] =	vst.idx.add.s32.msk $0xffff, v2;
	v5 =	vadd.s32 v1, v5  }
0x218: {  	[tilespmem:v3+s25+$0x0] =	vst.idx.add.s32.msk $0xffff, v2  }
0x219: {  	[tilespmem:v14+s25+$0x0] =	vst.idx.add.s32.msk $0xffff, v2  }
0x21a: {  	[tilespmem:v4+s25+$0x0] =	vst.idx.add.s32.msk $0xffff, v2  }
0x21b: {  	[tilespmem:v6+s25+$0x0] =	vst.idx.add.s32.msk $0xffff, v2  }
0x21c: {  	s0 =	simm.s32 $0x0;
	[tilespmem:v5+s25+$0x0] =	vst.idx.add.s32.msk $0xffff, v2  }
0x21d: {  	[tilespmem:s23], [sflag:$0x2] =	stream.linear.gather [hbm4b:s18+s0], $0x4000, $0x38;
	[tilespmem:$0x14480] =	vst v63  }
0x21e: {  	_ = 	snop  }
0x21f: {  	[tilespmem:s24], [sflag:$0x2] =	stream.linear.gather [hbm4b:s19+s0], $0x4000, $0x38;
	[tilespmem:$0x14480] =	vst v63  }
0x220: {  	_ =	swait.ge [sflag:s3], $0x4000  }
0x221: {  	[sflag:s3] =	ssyncset.done $0x0  }
0x222: {  	s1 =	simm.s32 $0x0;
	s4 =	simm.s32 $0x0;
	[sflag:s3] =	ssyncadd.s32 $0xFFFFC000  }
0x223: {  	s1 =	sand.u32 $0x3000, s1;
	s0 =	sand.u32 $0xC00, s0;
	_ =	swait.ge [sflag:s3], $0x4000  }
0x224: {  	s5 =	sand.u32 $0x380, s4;
	s0 =	sor.u32 s0, s1;
	[sflag:s3] =	ssyncset.done $0x0  }
0x225: {  	s0 =	sor.u32 s5, s0;
	[sflag:s3] =	ssyncadd.s32 $0xFFFFC000  }
0x226: {  	v3 =	vld [tilespmem:s0+$0x4070]  }
0x227: {  	v4 =	vld [tilespmem:s0+$0x70]  }
0x228: {  	v5 =	vld [tilespmem:s0+$0x4000]  }
0x229: {  	v6 =	vld [tilespmem:s0+$0x4010]  }
0x22a: {  	v7 =	vld [tilespmem:s0+$0x4020]  }
0x22b: {  	v8 =	vld [tilespmem:s0+$0x4030]  }
0x22c: {  	v9 =	vld [tilespmem:s0+$0x4040]  }
0x22d: {  	s6 =	simm.s32 $0x80;
	s1 =	simm.s32 $0x400;
	v10 =	vld [tilespmem:s0+$0x0]  }
0x22e: {  	s31 =	simm.s32 $0x20;
	s4 =	sand.u32 $0x3000, s6;
	s28 =	sand.u32 $0xC00, s1;
	v11 =	vld [tilespmem:s0+$0x10]  }
0x22f: {  	s7 =	sand.u32 $0x380, s31;
	s4 =	sor.u32 s28, s4;
	v12 =	vld [tilespmem:s0+$0x20]  }
0x230: {  	s31 =	sor.u32 s7, s4;
	v13 =	vld [tilespmem:s0+$0x4060]  }
0x231: {  	v14 =	vld [tilespmem:s31+$0x4070]  }
0x232: {  	v15 =	vld [tilespmem:s31+$0x70]  }
0x233: {  	v16 =	vld [tilespmem:s31+$0x4040];
	v3 =	vshll.u32 v3, $0x5  }
0x234: {  	v17 =	vld [tilespmem:s31+$0x4050];
	v3 =	vadd.s32 v3, v4  }
0x235: {  	v18 =	vld [tilespmem:s31+$0x0];
	v5 =	vshll.u32 v5, $0x5;
	v3 =	vadd.s32 v1, v3  }
0x236: {  	v19 =	vld [tilespmem:s31+$0x4060];
	v7 =	vshll.u32 v7, $0x5;
	v5 =	vadd.s32 v5, v10  }
0x237: {  	v4 =	vld [tilespmem:s0+$0x4050];
	v7 =	vadd.s32 v7, v12;
	v5 =	vadd.s32 v1, v5  }
0x238: {  	v10 =	vld [tilespmem:s0+$0x40];
	v7 =	vadd.s32 v1, v7  }
0x239: {  	v12 =	vld [tilespmem:s0+$0x60]  }
0x23a: {  	[tilespmem:v3+s25+$0x0] =	vst.idx.add.s32.msk $0xffff, v2;
	v3 =	vshll.u32 v6, $0x5  }
0x23b: {  	v6 =	vld [tilespmem:s0+$0x30];
	v3 =	vadd.s32 v3, v11  }
0x23c: {  	[tilespmem:v5+s25+$0x0] =	vst.idx.add.s32.msk $0xffff, v2;
	v5 =	vshll.u32 v14, $0x5;
	v3 =	vadd.s32 v1, v3  }
0x23d: {  	[tilespmem:v7+s25+$0x0] =	vst.idx.add.s32.msk $0xffff, v2;
	v5 =	vadd.s32 v5, v15  }
0x23e: {  	v7 =	vld [tilespmem:s31+$0x4010];
	v5 =	vadd.s32 v1, v5  }
0x23f: {  	v14 =	vld [tilespmem:s31+$0x4020]  }
0x240: {  	v11 =	vld [tilespmem:s0+$0x50]  }
0x241: {  	[tilespmem:v3+s25+$0x0] =	vst.idx.add.s32.msk $0xffff, v2  }
0x242: {  	v3 =	vld [tilespmem:s31+$0x4000]  }
0x243: {  	[tilespmem:v5+s25+$0x0] =	vst.idx.add.s32.msk $0xffff, v2  }
0x244: {  	v4 =	vshll.u32 v4, $0x5;
	v5 =	vshll.u32 v8, $0x5;
	v8 =	vshll.u32 v9, $0x5;
	v9 =	vld [tilespmem:s31+$0x10]  }
0x245: {  	v7 =	vshll.u32 v7, $0x5;
	v5 =	vadd.s32 v5, v6;
	v6 =	vadd.s32 v8, v10;
	v10 =	vld [tilespmem:s31+$0x20]  }
0x246: {  	v15 =	vld [tilespmem:s31+$0x4030];
	v4 =	vadd.s32 v4, v11;
	v8 =	vshll.u32 v13, $0x5;
	v5 =	vadd.s32 v1, v5  }
0x247: {  	v21 =	vld [tilespmem:s31+$0x30];
	v20 =	vadd.s32 v1, v6;
	v6 =	vadd.s32 v8, v12;
	v3 =	vshll.u32 v3, $0x5  }
0x248: {  	v4 =	vadd.s32 v1, v4;
	v12 =	vld [tilespmem:s31+$0x40];
	v11 =	vadd.s32 v3, v18;
	v3 =	vadd.s32 v1, v6  }
0x249: {  	v6 =	vshll.u32 v14, $0x5;
	v14 =	vadd.s32 v7, v9;
	v9 =	vld [tilespmem:s31+$0x50];
	v13 =	vadd.s32 v1, v11  }
0x24a: {  	v7 =	vld [tilespmem:s31+$0x60];
	v10 =	vadd.s32 v6, v10;
	v11 =	vadd.s32 v1, v14  }
0x24b: {  	v15 =	vshll.u32 v15, $0x5;
	v8 =	vshll.u32 v16, $0x5;
	[tilespmem:v5+s25+$0x0] =	vst.idx.add.s32.msk $0xffff, v2;
	v10 =	vadd.s32 v1, v10  }
0x24c: {  	s0 =	simm.s32 $0x8;
	v6 =	vshll.u32 v17, $0x5;
	v5 =	vshll.u32 v19, $0x5;
	v14 =	vadd.s32 v15, v21;
	[tilespmem:v20+s25+$0x0] =	vst.idx.add.s32.msk $0xffff, v2  }
.LBB2_18:
0x24d: {  	s0 =	sadd.s32 $0x8, s0;
	v14 =	vadd.s32 v1, v14;
	v8 =	vadd.s32 v8, v12;
	[tilespmem:v4+s25+$0x0] =	vst.idx.add.s32.msk $0xffff, v2  }
0x24e: {  	s1 =	sadd.s32 $0x400, s1;
	s4 =	sshll.u32 s0, $0x4;
	p0 =	slt.u32 s0, $0x3F8;
	[tilespmem:v13+s25+$0x0] =	vst.idx.add.s32.msk $0xffff, v2;
	v15 =	vadd.s32 v1, v8;
	v4 =	vadd.s32 v6, v9  }
0x24f: {  	s28 =	sand.u32 $0xC00, s1;
	s31 =	sshll.u32 s0, $0x2;
	s4 =	sand.u32 $0x3000, s4;
	[tilespmem:v11+s25+$0x0] =	vst.idx.add.s32.msk $0xffff, v2;
	v4 =	vadd.s32 v1, v4;
	v5 =	vadd.s32 v5, v7  }
0x250: {  	s4 =	sor.u32 s28, s4;
	s28 =	sand.u32 $0x380, s31;
	[tilespmem:v10+s25+$0x0] =	vst.idx.add.s32.msk $0xffff, v2;
	v5 =	vadd.s32 v1, v5  }
0x251: {  	s4 =	sor.u32 s28, s4;
	[tilespmem:v3+s25+$0x0] =	vst.idx.add.s32.msk $0xffff, v2;
	v3 =	vmov v5  }
0x252: {  	v5 =	vld [tilespmem:s4+$0x4070]  }
0x253: {  	v6 =	vld [tilespmem:s4+$0x70]  }
0x254: {  	v7 =	vld [tilespmem:s4+$0x4000]  }
0x255: {  	v8 =	vld [tilespmem:s4+$0x4010]  }
0x256: {  	v9 =	vld [tilespmem:s4+$0x4020]  }
0x257: {  	v10 =	vld [tilespmem:s4+$0x4030];
	v5 =	vshll.u32 v5, $0x5  }
0x258: {  	v11 =	vld [tilespmem:s4+$0x4040];
	v5 =	vadd.s32 v5, v6  }
0x259: {  	v7 =	vshll.u32 v7, $0x5;
	v6 =	vld [tilespmem:s4+$0x4050];
	v5 =	vadd.s32 v1, v5  }
0x25a: {  	v16 =	vshll.u32 v8, $0x5;
	v12 =	vld [tilespmem:s4+$0x4060]  }
0x25b: {  	v13 =	vld [tilespmem:s4+$0x0];
	v17 =	vshll.u32 v9, $0x5  }
0x25c: {  	v9 =	vld [tilespmem:s4+$0x10];
	v18 =	vshll.u32 v10, $0x5  }
0x25d: {  	v10 =	vld [tilespmem:s4+$0x20];
	v8 =	vshll.u32 v11, $0x5  }
0x25e: {  	v6 =	vshll.u32 v6, $0x5;
	[tilespmem:v5+s25+$0x0] =	vst.idx.add.s32.msk $0xffff, v2  }
0x25f: {  	v19 =	vld [tilespmem:s4+$0x30];
	v5 =	vshll.u32 v12, $0x5  }
.Ltmp8:
0x260: {  	v7 =	vadd.s32 v7, v13;
	v12 =	vld [tilespmem:s4+$0x40];
	(pc) =	sbr.rel @p0 .LBB2_18-.Ltmp8, $4  }
0x261: {  	v13 =	vadd.s32 v1, v7;
	v7 =	vadd.s32 v16, v9;
	v9 =	vld [tilespmem:s4+$0x50]  }
0x262: {  	v11 =	vadd.s32 v1, v7;
	v10 =	vadd.s32 v17, v10;
	v7 =	vld [tilespmem:s4+$0x60]  }
0x263: {  	v10 =	vadd.s32 v1, v10;
	[tilespmem:v14+s25+$0x0] =	vst.idx.add.s32.msk $0xffff, v2  }
0x264: {  	v14 =	vadd.s32 v18, v19;
	[tilespmem:v15+s25+$0x0] =	vst.idx.add.s32.msk $0xffff, v2  }
0x265: {  	_ =	sdelay $0x3  }
0x266: {  	v14 =	vadd.s32 v1, v14;
	v8 =	vadd.s32 v8, v12;
	[tilespmem:v4+s25+$0x0] =	vst.idx.add.s32.msk $0xffff, v2  }
0x267: {  	[tilespmem:v13+s25+$0x0] =	vst.idx.add.s32.msk $0xffff, v2;
	v4 =	vadd.s32 v1, v8;
	v6 =	vadd.s32 v6, v9  }
0x268: {  	[tilespmem:v11+s25+$0x0] =	vst.idx.add.s32.msk $0xffff, v2;
	v6 =	vadd.s32 v1, v6;
	v5 =	vadd.s32 v5, v7  }
0x269: {  	[tilespmem:v10+s25+$0x0] =	vst.idx.add.s32.msk $0xffff, v2;
	v5 =	vadd.s32 v1, v5  }
0x26a: {  	[tilespmem:v3+s25+$0x0] =	vst.idx.add.s32.msk $0xffff, v2  }
0x26b: {  	[tilespmem:v14+s25+$0x0] =	vst.idx.add.s32.msk $0xffff, v2  }
0x26c: {  	[tilespmem:v4+s25+$0x0] =	vst.idx.add.s32.msk $0xffff, v2  }
0x26d: {  	[tilespmem:v6+s25+$0x0] =	vst.idx.add.s32.msk $0xffff, v2  }
0x26e: {  	[tilespmem:v5+s25+$0x0] =	vst.idx.add.s32.msk $0xffff, v2  }
0x26f: {  	_ =	swait.ge [sflag:s26], $0x4000  }
0x270: {  	s31 =	simm.s32 $0x0;
	[sflag:s26] =	ssyncset.done $0x0  }
0x271: {  	s0 =	simm.s32 $0x0;
	s4 =	simm.s32 $0x0;
	[sflag:s26] =	ssyncadd.s32 $0xFFFFC000  }
0x272: {  	s0 =	sand.u32 $0x3000, s0;
	s1 =	sand.u32 $0xC00, s31;
	_ =	swait.ge [sflag:s26], $0x4000  }
0x273: {  	s6 =	sand.u32 $0x380, s4;
	s0 =	sor.u32 s1, s0;
	[sflag:s26] =	ssyncset.done $0x0  }
0x274: {  	s0 =	sor.u32 s6, s0;
	[sflag:s26] =	ssyncadd.s32 $0xFFFFC000  }
0x275: {  	v3 =	vld [tilespmem:s0+$0xC070]  }
0x276: {  	v4 =	vld [tilespmem:s0+$0x8070]  }
0x277: {  	v5 =	vld [tilespmem:s0+$0xC000]  }
0x278: {  	v6 =	vld [tilespmem:s0+$0xC010]  }
0x279: {  	v7 =	vld [tilespmem:s0+$0xC020]  }
0x27a: {  	v8 =	vld [tilespmem:s0+$0xC030]  }
0x27b: {  	v9 =	vld [tilespmem:s0+$0xC040]  }
0x27c: {  	s7 =	simm.s32 $0x80;
	s1 =	simm.s32 $0x400;
	v10 =	vld [tilespmem:s0+$0x8000]  }
0x27d: {  	s5 =	simm.s32 $0x20;
	s4 =	sand.u32 $0x3000, s7;
	s28 =	sand.u32 $0xC00, s1;
	v11 =	vld [tilespmem:s0+$0x8010]  }
0x27e: {  	s5 =	sand.u32 $0x380, s5;
	s4 =	sor.u32 s28, s4;
	v12 =	vld [tilespmem:s0+$0x8020]  }
0x27f: {  	s28 =	sor.u32 s5, s4;
	v13 =	vld [tilespmem:s0+$0xC060]  }
0x280: {  	v14 =	vld [tilespmem:s28+$0xC070]  }
0x281: {  	v15 =	vld [tilespmem:s28+$0x8070]  }
0x282: {  	v16 =	vld [tilespmem:s28+$0xC040];
	v3 =	vshll.u32 v3, $0x5  }
0x283: {  	v17 =	vld [tilespmem:s28+$0xC050];
	v3 =	vadd.s32 v3, v4  }
0x284: {  	v18 =	vld [tilespmem:s28+$0x8000];
	v5 =	vshll.u32 v5, $0x5;
	v3 =	vadd.s32 v1, v3  }
0x285: {  	v19 =	vld [tilespmem:s28+$0xC060];
	v7 =	vshll.u32 v7, $0x5;
	v5 =	vadd.s32 v5, v10  }
0x286: {  	v4 =	vld [tilespmem:s0+$0xC050];
	v7 =	vadd.s32 v7, v12;
	v5 =	vadd.s32 v1, v5  }
0x287: {  	v10 =	vld [tilespmem:s0+$0x8040];
	v7 =	vadd.s32 v1, v7  }
0x288: {  	v12 =	vld [tilespmem:s0+$0x8060]  }
0x289: {  	[tilespmem:v3+s25+$0x0] =	vst.idx.add.s32.msk $0xffff, v2;
	v3 =	vshll.u32 v6, $0x5  }
0x28a: {  	v6 =	vld [tilespmem:s0+$0x8030];
	v3 =	vadd.s32 v3, v11  }
0x28b: {  	[tilespmem:v5+s25+$0x0] =	vst.idx.add.s32.msk $0xffff, v2;
	v5 =	vshll.u32 v14, $0x5;
	v3 =	vadd.s32 v1, v3  }
0x28c: {  	[tilespmem:v7+s25+$0x0] =	vst.idx.add.s32.msk $0xffff, v2;
	v5 =	vadd.s32 v5, v15  }
0x28d: {  	v7 =	vld [tilespmem:s28+$0xC010];
	v5 =	vadd.s32 v1, v5  }
0x28e: {  	v14 =	vld [tilespmem:s28+$0xC020]  }
0x28f: {  	v11 =	vld [tilespmem:s0+$0x8050]  }
0x290: {  	[tilespmem:v3+s25+$0x0] =	vst.idx.add.s32.msk $0xffff, v2  }
0x291: {  	v3 =	vld [tilespmem:s28+$0xC000]  }
0x292: {  	[tilespmem:v5+s25+$0x0] =	vst.idx.add.s32.msk $0xffff, v2  }
0x293: {  	v4 =	vshll.u32 v4, $0x5;
	v5 =	vshll.u32 v8, $0x5;
	v8 =	vshll.u32 v9, $0x5;
	v9 =	vld [tilespmem:s28+$0x8010]  }
0x294: {  	v7 =	vshll.u32 v7, $0x5;
	v5 =	vadd.s32 v5, v6;
	v6 =	vadd.s32 v8, v10;
	v10 =	vld [tilespmem:s28+$0x8020]  }
0x295: {  	v15 =	vld [tilespmem:s28+$0xC030];
	v4 =	vadd.s32 v4, v11;
	v8 =	vshll.u32 v13, $0x5;
	v5 =	vadd.s32 v1, v5  }
0x296: {  	v21 =	vld [tilespmem:s28+$0x8030];
	v20 =	vadd.s32 v1, v6;
	v6 =	vadd.s32 v8, v12;
	v3 =	vshll.u32 v3, $0x5  }
0x297: {  	v4 =	vadd.s32 v1, v4;
	v12 =	vld [tilespmem:s28+$0x8040];
	v11 =	vadd.s32 v3, v18;
	v3 =	vadd.s32 v1, v6  }
0x298: {  	v6 =	vshll.u32 v14, $0x5;
	v14 =	vadd.s32 v7, v9;
	v9 =	vld [tilespmem:s28+$0x8050];
	v13 =	vadd.s32 v1, v11  }
0x299: {  	v7 =	vld [tilespmem:s28+$0x8060];
	v10 =	vadd.s32 v6, v10;
	v11 =	vadd.s32 v1, v14  }
0x29a: {  	v15 =	vshll.u32 v15, $0x5;
	v8 =	vshll.u32 v16, $0x5;
	[tilespmem:v5+s25+$0x0] =	vst.idx.add.s32.msk $0xffff, v2;
	v10 =	vadd.s32 v1, v10  }
0x29b: {  	s0 =	simm.s32 $0x8;
	v6 =	vshll.u32 v17, $0x5;
	v5 =	vshll.u32 v19, $0x5;
	v14 =	vadd.s32 v15, v21;
	[tilespmem:v20+s25+$0x0] =	vst.idx.add.s32.msk $0xffff, v2  }
.LBB2_20:
0x29c: {  	s0 =	sadd.s32 $0x8, s0;
	v14 =	vadd.s32 v1, v14;
	v8 =	vadd.s32 v8, v12;
	[tilespmem:v4+s25+$0x0] =	vst.idx.add.s32.msk $0xffff, v2  }
0x29d: {  	s1 =	sadd.s32 $0x400, s1;
	s4 =	sshll.u32 s0, $0x4;
	p0 =	slt.u32 s0, $0x3F8;
	[tilespmem:v13+s25+$0x0] =	vst.idx.add.s32.msk $0xffff, v2;
	v15 =	vadd.s32 v1, v8;
	v4 =	vadd.s32 v6, v9  }
0x29e: {  	s5 =	sand.u32 $0xC00, s1;
	s28 =	sshll.u32 s0, $0x2;
	s4 =	sand.u32 $0x3000, s4;
	[tilespmem:v11+s25+$0x0] =	vst.idx.add.s32.msk $0xffff, v2;
	v4 =	vadd.s32 v1, v4;
	v5 =	vadd.s32 v5, v7  }
0x29f: {  	s4 =	sor.u32 s5, s4;
	s5 =	sand.u32 $0x380, s28;
	[tilespmem:v10+s25+$0x0] =	vst.idx.add.s32.msk $0xffff, v2;
	v5 =	vadd.s32 v1, v5  }
0x2a0: {  	s4 =	sor.u32 s5, s4;
	[tilespmem:v3+s25+$0x0] =	vst.idx.add.s32.msk $0xffff, v2;
	v3 =	vmov v5  }
0x2a1: {  	v5 =	vld [tilespmem:s4+$0xC070]  }
0x2a2: {  	v6 =	vld [tilespmem:s4+$0x8070]  }
0x2a3: {  	v7 =	vld [tilespmem:s4+$0xC000]  }
0x2a4: {  	v8 =	vld [tilespmem:s4+$0xC010]  }
0x2a5: {  	v9 =	vld [tilespmem:s4+$0xC020]  }
0x2a6: {  	v10 =	vld [tilespmem:s4+$0xC030];
	v5 =	vshll.u32 v5, $0x5  }
0x2a7: {  	v11 =	vld [tilespmem:s4+$0xC040];
	v5 =	vadd.s32 v5, v6  }
0x2a8: {  	v7 =	vshll.u32 v7, $0x5;
	v6 =	vld [tilespmem:s4+$0xC050];
	v5 =	vadd.s32 v1, v5  }
0x2a9: {  	v16 =	vshll.u32 v8, $0x5;
	v12 =	vld [tilespmem:s4+$0xC060]  }
0x2aa: {  	v13 =	vld [tilespmem:s4+$0x8000];
	v17 =	vshll.u32 v9, $0x5  }
0x2ab: {  	v9 =	vld [tilespmem:s4+$0x8010];
	v18 =	vshll.u32 v10, $0x5  }
0x2ac: {  	v10 =	vld [tilespmem:s4+$0x8020];
	v8 =	vshll.u32 v11, $0x5  }
0x2ad: {  	v6 =	vshll.u32 v6, $0x5;
	[tilespmem:v5+s25+$0x0] =	vst.idx.add.s32.msk $0xffff, v2  }
0x2ae: {  	v19 =	vld [tilespmem:s4+$0x8030];
	v5 =	vshll.u32 v12, $0x5  }
.Ltmp9:
0x2af: {  	v7 =	vadd.s32 v7, v13;
	v12 =	vld [tilespmem:s4+$0x8040];
	(pc) =	sbr.rel @p0 .LBB2_20-.Ltmp9, $4  }
0x2b0: {  	v13 =	vadd.s32 v1, v7;
	v7 =	vadd.s32 v16, v9;
	v9 =	vld [tilespmem:s4+$0x8050]  }
0x2b1: {  	v11 =	vadd.s32 v1, v7;
	v10 =	vadd.s32 v17, v10;
	v7 =	vld [tilespmem:s4+$0x8060]  }
0x2b2: {  	v10 =	vadd.s32 v1, v10;
	[tilespmem:v14+s25+$0x0] =	vst.idx.add.s32.msk $0xffff, v2  }
0x2b3: {  	v14 =	vadd.s32 v18, v19;
	[tilespmem:v15+s25+$0x0] =	vst.idx.add.s32.msk $0xffff, v2  }
0x2b4: {  	_ =	sdelay $0x3  }
0x2b5: {  	v14 =	vadd.s32 v1, v14;
	v8 =	vadd.s32 v8, v12;
	[tilespmem:v4+s25+$0x0] =	vst.idx.add.s32.msk $0xffff, v2  }
0x2b6: {  	[tilespmem:v13+s25+$0x0] =	vst.idx.add.s32.msk $0xffff, v2;
	v4 =	vadd.s32 v1, v8;
	v6 =	vadd.s32 v6, v9  }
0x2b7: {  	[tilespmem:v11+s25+$0x0] =	vst.idx.add.s32.msk $0xffff, v2;
	v6 =	vadd.s32 v1, v6;
	v5 =	vadd.s32 v5, v7  }
0x2b8: {  	[tilespmem:v10+s25+$0x0] =	vst.idx.add.s32.msk $0xffff, v2;
	v5 =	vadd.s32 v1, v5  }
0x2b9: {  	[tilespmem:v3+s25+$0x0] =	vst.idx.add.s32.msk $0xffff, v2  }
0x2ba: {  	[tilespmem:v14+s25+$0x0] =	vst.idx.add.s32.msk $0xffff, v2  }
0x2bb: {  	[tilespmem:v4+s25+$0x0] =	vst.idx.add.s32.msk $0xffff, v2  }
0x2bc: {  	[tilespmem:v6+s25+$0x0] =	vst.idx.add.s32.msk $0xffff, v2  }
0x2bd: {  	s1 =	simm.s32 $0x0;
	[tilespmem:v5+s25+$0x0] =	vst.idx.add.s32.msk $0xffff, v2  }
0x2be: {  	v3 =	vld [tilespmem:s1+$0x10010]  }
0x2bf: {  	v4 =	vld [tilespmem:s1+$0x10417]  }
0x2c0: {  	v5 =	vld [tilespmem:s1+$0x1081E]  }
0x2c1: {  	v6 =	vld [tilespmem:s1+$0x10C25]  }
0x2c2: {  	v7 =	vld [tilespmem:s1+$0x1102C]  }
0x2c3: {  	v8 =	vld [tilespmem:s1+$0x11433]  }
0x2c4: {  	v9 =	vld [tilespmem:s1+$0x1183A]  }
0x2c5: {  	v10 =	vld [tilespmem:s1+$0x11C41]  }
0x2c6: {  	v11 =	vld [tilespmem:s1+$0x12048]  }
0x2c7: {  	v62 =	vld [tilespmem:s1+$0x1244F]  }
0x2c8: {  	v13 =	vld [tilespmem:s1+$0x12856]  }
0x2c9: {  	v14 =	vld [tilespmem:s1+$0x12C5D]  }
0x2ca: {  	v15 =	vld [tilespmem:s1+$0x13064]  }
0x2cb: {  	v63 =	vld [tilespmem:s1+$0x11423];
	v3 =	vadd.s32 v3, v4  }
0x2cc: {  	v4 =	vld [tilespmem:s1+$0x1346B];
	v3 =	vadd.s32 v5, v3  }
0x2cd: {  	v5 =	vld [tilespmem:s1+$0x13872];
	v3 =	vadd.s32 v6, v3  }
0x2ce: {  	v3 =	vadd.s32 v7, v3;
	v7 =	vld [tilespmem:s1+$0x10000]  }
0x2cf: {  	v3 =	vadd.s32 v8, v3;
	v8 =	vld [tilespmem:s1+$0x10407]  }
0x2d0: {  	v3 =	vadd.s32 v9, v3;
	v9 =	vld [tilespmem:s1+$0x1080E]  }
0x2d1: {  	v3 =	vadd.s32 v10, v3;
	v10 =	vld [tilespmem:s1+$0x10C15]  }
0x2d2: {  	v3 =	vadd.s32 v11, v3;
	v11 =	vld [tilespmem:s1+$0x1101C]  }
0x2d3: {  	v6 =	vld [tilespmem:s1+$0x13C79];
	v3 =	vadd.s32 v62, v3  }
0x2d4: {  	v3 =	vadd.s32 v13, v3;
	v7 =	vadd.s32 v7, v8;
	v8 =	vld [tilespmem:s1+$0x1182A]  }
0x2d5: {  	v3 =	vadd.s32 v14, v3;
	v7 =	vadd.s32 v9, v7;
	v9 =	vld [tilespmem:s1+$0x11C31]  }
0x2d6: {  	v3 =	vadd.s32 v15, v3;
	v7 =	vadd.s32 v10, v7;
	v10 =	vld [tilespmem:s1+$0x12038]  }
0x2d7: {  	v3 =	vadd.s32 v4, v3;
	v4 =	vadd.s32 v11, v7;
	v7 =	vld [tilespmem:s1+$0x1243F]  }
0x2d8: {  	s0 =	sand.u32 $0xE00, s31;
	v5 =	vadd.s32 v5, v3;
	v4 =	vadd.s32 v63, v4;
	v3 =	vld [tilespmem:s1+$0x12846]  }
0x2d9: {  	s4 =	simm.s32 $0x10;
	s0 =	sshrl.u32 s0, $0x2;
	v5 =	vadd.s32 v6, v5;
	v6 =	vadd.s32 v8, v4;
	v4 =	vld [tilespmem:s1+$0x12C4D]  }
0x2da: {  	s6 =	sand.u32 $0x70, s4;
	s5 =	sadd.s32 $0x14080, s0;
	v8 =	vcvt.s32.f32 v5;
	v6 =	vadd.s32 v9, v6;
	v5 =	vld [tilespmem:s1+$0x13054]  }
0x2db: {  	s7 =	sand.u32 $0x60, s31;
	s28 =	sor.u32 s6, s5;
	v9 =	vadd.s32 v10, v6;
	v6 =	vld [tilespmem:s1+$0x1345B]  }
0x2dc: {  	s0 =	simm.s32 $0x0;
	s4 =	sor.u32 s7, s5;
	[tilespmem:s28+$0x0] =	vst v8;
	v8 =	vadd.s32 v7, v9;
	v7 =	vld [tilespmem:s1+$0x13862];
	s28 =	simm.s32 $0x80  }
.LBB2_22:
0x2dd: {  	v3 =	vadd.s32 v3, v8;
	v8 =	vld [tilespmem:s1+$0x13C69];
	s1 =	sshra.s32 s28, $0x2  }
0x2de: {  	s0 =	sadd.s32 $0x2, s0;
	v9 =	vld [tilespmem:s1+$0x10010];
	v3 =	vadd.s32 v4, v3  }
0x2df: {  	p0 =	slt.u32 s0, $0x3E;
	v4 =	vld [tilespmem:s1+$0x10417];
	v3 =	vadd.s32 v5, v3  }
0x2e0: {  	v5 =	vld [tilespmem:s1+$0x1081E];
	v3 =	vadd.s32 v6, v3  }
0x2e1: {  	v6 =	vld [tilespmem:s1+$0x10C25];
	v3 =	vadd.s32 v7, v3  }
0x2e2: {  	v7 =	vld [tilespmem:s1+$0x1102C];
	v3 =	vadd.s32 v8, v3  }
0x2e3: {  	v8 =	vld [tilespmem:s1+$0x11433];
	v3 =	vcvt.s32.f32 v3  }
0x2e4: {  	v4 =	vadd.s32 v9, v4;
	v9 =	vld [tilespmem:s1+$0x1183A]  }
0x2e5: {  	v4 =	vadd.s32 v5, v4;
	v5 =	vld [tilespmem:s1+$0x11C41];
	[tilespmem:s4+$0x0] =	vst v3  }
0x2e6: {  	v3 =	vadd.s32 v6, v4;
	v4 =	vld [tilespmem:s1+$0x12048]  }
0x2e7: {  	v3 =	vadd.s32 v7, v3;
	v6 =	vld [tilespmem:s1+$0x1244F]  }
0x2e8: {  	v3 =	vadd.s32 v8, v3;
	v7 =	vld [tilespmem:s1+$0x12856]  }
0x2e9: {  	v3 =	vadd.s32 v9, v3;
	v8 =	vld [tilespmem:s1+$0x12C5D]  }
0x2ea: {  	v3 =	vadd.s32 v5, v3;
	v5 =	vld [tilespmem:s1+$0x13064]  }
0x2eb: {  	v3 =	vadd.s32 v4, v3;
	v4 =	vld [tilespmem:s1+$0x1346B]  }
0x2ec: {  	v3 =	vadd.s32 v6, v3;
	v6 =	vld [tilespmem:s1+$0x13872]  }
0x2ed: {  	v3 =	vadd.s32 v7, v3;
	v7 =	vld [tilespmem:s1+$0x13C79]  }
0x2ee: {  	v9 =	vld [tilespmem:s1+$0x10000];
	v3 =	vadd.s32 v8, v3  }
0x2ef: {  	v8 =	vld [tilespmem:s1+$0x10407];
	v3 =	vadd.s32 v5, v3  }
0x2f0: {  	v5 =	vld [tilespmem:s1+$0x1080E];
	v3 =	vadd.s32 v4, v3  }
0x2f1: {  	s31 =	sadd.s32 $0x20, s31;
	s4 =	sand.u32 $0xE00, s28;
	v4 =	vld [tilespmem:s1+$0x10C15];
	v3 =	vadd.s32 v6, v3  }
0x2f2: {  	s5 =	sand.u32 $0x60, s31;
	s6 =	sadd.s32 $0x10, s31;
	s4 =	sshrl.u32 s4, $0x2;
	v6 =	vld [tilespmem:s1+$0x1101C];
	v3 =	vadd.s32 v7, v3  }
0x2f3: {  	s6 =	sand.u32 $0x70, s6;
	s7 =	sadd.s32 $0x14080, s4;
	v7 =	vld [tilespmem:s1+$0x11423];
	v3 =	vcvt.s32.f32 v3  }
0x2f4: {  	s4 =	sor.u32 s5, s7;
	s5 =	sor.u32 s6, s7;
	v8 =	vadd.s32 v9, v8;
	v9 =	vld [tilespmem:s1+$0x1182A]  }
0x2f5: {  	v5 =	vadd.s32 v5, v8;
	v8 =	vld [tilespmem:s1+$0x11C31];
	[tilespmem:s5+$0x0] =	vst v3  }
0x2f6: {  	v3 =	vadd.s32 v4, v5;
	v10 =	vld [tilespmem:s1+$0x12038]  }
0x2f7: {  	v3 =	vadd.s32 v6, v3;
	v11 =	vld [tilespmem:s1+$0x1243F]  }
.Ltmp10:
0x2f8: {  	v4 =	vadd.s32 v7, v3;
	v3 =	vld [tilespmem:s1+$0x12846];
	(pc) =	sbr.rel @p0 .LBB2_22-.Ltmp10, $4  }
0x2f9: {  	v5 =	vadd.s32 v9, v4;
	v4 =	vld [tilespmem:s1+$0x12C4D]  }
0x2fa: {  	v6 =	vadd.s32 v8, v5;
	v5 =	vld [tilespmem:s1+$0x13054]  }
0x2fb: {  	v7 =	vadd.s32 v10, v6;
	v6 =	vld [tilespmem:s1+$0x1345B]  }
0x2fc: {  	s28 =	sadd.s32 $0x80, s28;
	v8 =	vadd.s32 v11, v7;
	v7 =	vld [tilespmem:s1+$0x13862]  }
0x2fd: {  	v3 =	vadd.s32 v3, v8;
	v63 =	vld [tilespmem:s1+$0x13C69]  }
0x2fe: {  	v3 =	vadd.s32 v4, v3  }
0x2ff: {  	v3 =	vadd.s32 v5, v3  }
0x300: {  	v3 =	vadd.s32 v6, v3  }
0x301: {  	v3 =	vadd.s32 v7, v3  }
0x302: {  	v3 =	vadd.s32 v63, v3  }
0x303: {  	s30 =	sadd.s32 $0x1, s30;
	v3 =	vcvt.s32.f32 v3  }
0x304: {  	p0 =	sne.s32 s30, s21  }
.Ltmp11:
0x305: {  	s0 =	simm.s32 $0x14080;
	[tilespmem:s4+$0x0] =	vst v3;
	(pc) =	sbr.rel @p0 .LBB2_1-.Ltmp11, $4  }
0x306: {  	[hbm4b:s20+s2] =	stream.linear.scatter [tilespmem:s0], [sflag:$0x3], $0x400, $0x38;
	[tilespmem:$0x14480] =	vst v63  }
0x307: {  	_ =	swait.ge [sflag:s29], $0x400  }
0x308: {  	[sflag:s29] =	ssyncset.done $0x0  }
0x309: {  	[sflag:s29] =	ssyncadd.s32 $0xFFFFFC00  }
0x30a: {  	_ =	sfence.sel $0x180000  }
0x30b: {  	[bflag:$0x0] =	sbarrier.arrive $0xFFFF  }
0x30c: {  	_ =	strace $0x90000047  }
0x30d: {  	s0 =	stileid.u32;
	[bflag:$0x2] =	sbarrier.arrive $0xFFFF  }
0x30e: {  	p0 =	sne.s32 s0, $0x0;
	s0 =	rddreg [dreg:$0x3]  }
0x30f: {  	s0 =	sadd.s32 @!p0 $0x100000, s0  }
0x310: {  	[sflag:s0] =	ssyncadd.tile.s32 @!p0 $0x1;
	_ =	shalt  }
.Lfunc_end2:
_tile_overlayer_lowered:
.L_overlay_start_2:
0x311: {  	(tag) =	ssettag $0x2  }
0x312: {  	s0 =	rddreg [dreg:$0x0];
	s2 =	stileid.u32  }
0x313: {  	s1 =	rddreg [dreg:$0x1];
	p0 =	sne.s32 s2, $0x0  }
0x314: {  	s3 =	rddreg [dreg:$0x2];
	[bflag:$0x3] =	sbarrier.arrive $0xFFFF;
	s2 =	simm.s32 @!p0 $0x1C03  }
0x315: {  	[timem:s3], [sflag:s2] =	dma.local @!p0 [hbm:s0], s1  }
0x316: {  	s0 =	simm.s32 @!p0 $0x3  }
0x317: {  	_ =	swait.ge @!p0 [sflag:s0], s1  }
0x318: {  	s1 =	ssub.s32 @!p0 $0x0, s1;
	[sflag:s0] =	ssyncset.done @!p0 $0x0  }
0x319: {  	[sflag:s0] =	ssyncadd.s32 @!p0 s1  }
0x31a: {  	[bflag:$0x3] =	sbarrier.arrive $0xFFFF  }
0x31b: {  	_ =	shalt  }

</sc_bundles>
